<compile_context>
chip_gen: v7x
topology: tpu7x:2x2x1
jax: 0.10.2.dev20260603
libtpu: 0.0.44.dev20260713+nightly
codegen_flags: <defaults>
</compile_context>

<pallas_src>
import functools

import jax
import jax.numpy as jnp
from jax import lax
from jax.experimental import pallas as pl
from jax.experimental.pallas import tpu as pltpu
from jax.experimental.pallas import tpu_sc as plsc

N, E, F, D, C = 10000, 320000, 128, 48, 40
NC, NS = 2, 16
NW = NC * NS
EW = E // NW
NPAD = 10240
NPT = NPAD // NS


def _segment_sum_sc(p, src, dst, zeros, width, k, depth):
    nchunk = EW // k
    assert nchunk * k == EW and nchunk % depth == 0
    mesh = plsc.VectorSubcoreMesh(core_axis_name="c", subcore_axis_name="s")

    @functools.partial(
        pl.kernel,
        out_type=jax.ShapeDtypeStruct((NC, NPAD, width), jnp.float32),
        mesh=mesh,
        scratch_types=(
            [pltpu.VMEM((nchunk, k), jnp.int32),
             pltpu.VMEM((nchunk, k), jnp.int32)]
            + [pltpu.VMEM((k, width), jnp.float32)] * depth
            + [pltpu.VMEM_SHARED((NPAD, width), jnp.float32)]
            + [pltpu.SemaphoreType.DMA] * depth
        ),
        compiler_params=pltpu.CompilerParams(use_tc_tiling_on_sc=False),
    )
    def seg(p_hbm, src_hbm, dst_hbm, z_hbm, out_hbm, sidx, didx, *rest):
        rows = rest[:depth]
        acc = rest[depth]
        table = p_hbm
        sems = rest[depth + 1:]
        c = lax.axis_index("c")
        s = lax.axis_index("s")
        wid = c * NS + s
        pltpu.sync_copy(z_hbm.at[pl.ds(s * NPT, NPT)], acc.at[pl.ds(s * NPT, NPT)])
        pltpu.sync_copy(src_hbm.at[wid], sidx)
        pltpu.sync_copy(dst_hbm.at[wid], didx)
        plsc.subcore_barrier()

        for b in range(depth):
            pltpu.async_copy(table.at[sidx.at[b]], rows[b], sems[b])

        def grp(g, carry):
            base = g * depth
            for b in range(depth):
                i = base + b
                pltpu.make_async_copy(p_hbm.at[sidx.at[0]], rows[b],
                                      sems[b]).wait()
                pltpu.sync_copy(rows[b], acc.at[didx.at[i]], add=True)

                @pl.when(i + depth < nchunk)
                def _():
                    pltpu.async_copy(table.at[sidx.at[i + depth]],
                                     rows[b], sems[b])
            return carry

        lax.fori_loop(0, nchunk // depth, grp, 0)
        plsc.subcore_barrier()
        pltpu.sync_copy(acc.at[pl.ds(s * NPT, NPT)],
                        out_hbm.at[c, pl.ds(s * NPT, NPT)])

    return seg(p, src, dst, zeros)


def _tc_relu(x):
    def body(x_ref, o_ref):
        o_ref[...] = jnp.maximum(x_ref[...], 0.0)

    return pl.pallas_call(
        body, out_shape=jax.ShapeDtypeStruct(x.shape, jnp.float32))(x)


def _gine_bn_block(h_ref, s_ref, wa_ref, ba_ref, wb_ref, bb_ref, g_ref, be_ref):
    agg = s_ref[0, :N, :] + s_ref[1, :N, :]
    t = jnp.maximum(
        lax.dot(h_ref[...] + agg, wa_ref[...],
                preferred_element_type=jnp.float32) + ba_ref[...], 0.0)
    u = lax.dot(t, wb_ref[...], preferred_element_type=jnp.float32) + bb_ref[...]
    u = jnp.maximum(u, 0.0)
    m = jnp.mean(u, axis=0, keepdims=True)
    v = jnp.mean((u - m) ** 2, axis=0, keepdims=True)
    return (u - m) / jnp.sqrt(v + 1e-5) * g_ref[...] + be_ref[...]


def _tc_mid(x, s1, w1a, b1a, w1b, b1b, g1, be1):
    def body(x_ref, s_ref, wa_ref, ba_ref, wb_ref, bb_ref, g_ref, be_ref,
             h_ref, r_ref):
        h = _gine_bn_block(x_ref, s_ref, wa_ref, ba_ref, wb_ref, bb_ref,
                           g_ref, be_ref)
        h_ref[...] = h
        r_ref[...] = jnp.maximum(h, 0.0)

    return pl.pallas_call(
        body,
        out_shape=(jax.ShapeDtypeStruct((N, D), jnp.float32),
                   jax.ShapeDtypeStruct((N, D), jnp.float32)),
    )(x, s1, w1a, b1a, w1b, b1b, g1, be1)


def _tc_fin(h1, s2, w2a, b2a, w2b, b2b, g2, be2, wf1, bf1, wf2, bf2):
    def body(h1_ref, s_ref, wa_ref, ba_ref, wb_ref, bb_ref, g_ref, be_ref,
             wf1_ref, bf1_ref, wf2_ref, bf2_ref, out_ref):
        h = _gine_bn_block(h1_ref, s_ref, wa_ref, ba_ref, wb_ref, bb_ref,
                           g_ref, be_ref)
        f = jnp.maximum(
            lax.dot(h, wf1_ref[...], preferred_element_type=jnp.float32)
            + bf1_ref[...], 0.0)
        out_ref[...] = (lax.dot(f, wf2_ref[...], preferred_element_type=jnp.float32)
                        + bf2_ref[...])

    return pl.pallas_call(
        body,
        out_shape=jax.ShapeDtypeStruct((N, C), jnp.float32),
    )(h1, s2, w2a, b2a, w2b, b2b, g2, be2, wf1, bf1, wf2, bf2)


def kernel(x, edge_index, W1a, b1a, W1b, b1b, g1, be1, W2a, b2a, W2b, b2b,
           g2, be2, Wf1, bf1, Wf2, bf2):
    K1, DEPTH1 = 50, 4
    K2, DEPTH2 = 125, 4
    src = edge_index[0].astype(jnp.int32)
    dst = edge_index[1].astype(jnp.int32)
    src1 = src.reshape(NW, EW // K1, K1)
    dst1 = dst.reshape(NW, EW // K1, K1)
    src2 = src.reshape(NW, EW // K2, K2)
    dst2 = dst.reshape(NW, EW // K2, K2)
    zeros_f = jnp.zeros((NPAD, F), jnp.float32)
    zeros_d = jnp.zeros((NPAD, D), jnp.float32)

    r0 = _tc_relu(x)
    s1 = _segment_sum_sc(r0, src1, dst1, zeros_f, F, K1, DEPTH1)
    h1, r1 = _tc_mid(x, s1, W1a, b1a.reshape(1, D), W1b, b1b.reshape(1, D),
                     g1.reshape(1, D), be1.reshape(1, D))
    s2 = _segment_sum_sc(r1, src2, dst2, zeros_d, D, K2, DEPTH2)
    return _tc_fin(h1, s2, W2a, b2a.reshape(1, D), W2b, b2b.reshape(1, D),
                   g2.reshape(1, D), be2.reshape(1, D),
                   Wf1, bf1.reshape(1, D), Wf2, bf2.reshape(1, C))

# --- scband reference (transcript-rebuilt; emitter-appended) ---
"""Pipeline reference for scband-net-80942953660480 (READ-ONLY COPY).

The authoritative reference and input builder live on the scoring server;
editing this copy changes nothing except your own understanding.
"""

import jax, jax.numpy as jnp
import numpy as np

N, E, F, D, C = 10000, 320000, 128, 48, 40


def setup_inputs(seed: int = 0) -> dict:
    key = jax.random.key(seed)
    ks = jax.random.split(key, 12)
    inp = {}
    inp['x'] = jax.random.normal(ks[0], (N, F), dtype=jnp.float32)
    inp['edge_index'] = jax.random.randint(ks[1], (2, E), 0, N, dtype=jnp.int64 if jax.config.read('jax_enable_x64') else jnp.int32)
    s = 0.05
    inp['W1a'] = jax.random.normal(ks[2], (F, D), dtype=jnp.float32) * s
    inp['b1a'] = jnp.zeros((D,), jnp.float32)
    inp['W1b'] = jax.random.normal(ks[3], (D, D), dtype=jnp.float32) * s
    inp['b1b'] = jnp.zeros((D,), jnp.float32)
    inp['g1'] = jnp.ones((D,), jnp.float32)
    inp['be1'] = jnp.zeros((D,), jnp.float32)
    inp['W2a'] = jax.random.normal(ks[4], (D, D), dtype=jnp.float32) * s
    inp['b2a'] = jnp.zeros((D,), jnp.float32)
    inp['W2b'] = jax.random.normal(ks[5], (D, D), dtype=jnp.float32) * s
    inp['b2b'] = jnp.zeros((D,), jnp.float32)
    inp['g2'] = jnp.ones((D,), jnp.float32)
    inp['be2'] = jnp.zeros((D,), jnp.float32)
    inp['Wf1'] = jax.random.normal(ks[6], (D, D), dtype=jnp.float32) * s
    inp['bf1'] = jnp.zeros((D,), jnp.float32)
    inp['Wf2'] = jax.random.normal(ks[7], (D, C), dtype=jnp.float32) * s
    inp['bf2'] = jnp.zeros((C,), jnp.float32)
    return inp


def _gine_conv(x, src, dst, Wa, ba, Wb, bb):
    # GINEConv (no edge_attr): message = ReLU(x_j); out = nn((1+eps)*x + sum_j msg), eps=0
    msg = jax.nn.relu(jnp.take(x, src, axis=0))
    agg = jax.ops.segment_sum(msg, dst, num_segments=N)
    h = x + agg
    h = jax.nn.relu(h @ Wa + ba)
    h = h @ Wb + bb
    return h


def _bn(x, g, b):
    m = jnp.mean(x, axis=0)
    v = jnp.var(x, axis=0)
    return (x - m) / jnp.sqrt(v + 1e-5) * g + b


def reference(x, edge_index, W1a, b1a, W1b, b1b, g1, be1, W2a, b2a, W2b, b2b, g2, be2, Wf1, bf1, Wf2, bf2):
    src = edge_index[0]
    dst = edge_index[1]
    h = jax.nn.relu(_gine_conv(x, src, dst, W1a, b1a, W1b, b1b))
    h = _bn(h, g1, be1)
    h = jax.nn.relu(_gine_conv(h, src, dst, W2a, b2a, W2b, b2b))
    h = _bn(h, g2, be2)
    h = jax.nn.relu(h @ Wf1 + bf1)
    # dropout is identity in eval mode
    h = h @ Wf2 + bf2
    return h

if __name__ == "__main__":
    import jax
    _d = setup_inputs()
    print(jax.jit(kernel)(*tuple(_d.values())))

</pallas_src>

<mosaic_0001>
#map = affine_map<(d0, d1) -> (0, 0)>
#map1 = affine_map<(d0, d1) -> (0, 0, 0)>
module attributes {stable_mosaic.version = 14 : i64} {
  func.func @seg(%arg0: i32, %arg1: i32, %arg2: memref<10000x128xf32, #tpu.memory_space<hbm>>, %arg3: memref<32x200x50xi32, #tpu.memory_space<hbm>>, %arg4: memref<32x200x50xi32, #tpu.memory_space<hbm>>, %arg5: memref<10240x128xf32, #tpu.memory_space<hbm>>, %arg6: memref<2x10240x128xf32, #tpu.memory_space<hbm>>, %arg7: memref<200x50xi32, #tpu.memory_space<vmem>>, %arg8: memref<200x50xi32, #tpu.memory_space<vmem>>, %arg9: memref<50x128xf32, #tpu.memory_space<vmem>>, %arg10: memref<50x128xf32, #tpu.memory_space<vmem>>, %arg11: memref<50x128xf32, #tpu.memory_space<vmem>>, %arg12: memref<50x128xf32, #tpu.memory_space<vmem>>, %arg13: memref<10240x128xf32, #tpu.memory_space<vmem_shared>>, %arg14: memref<!tpu.dma_semaphore, #tpu.memory_space<semaphore_mem>>, %arg15: memref<!tpu.dma_semaphore, #tpu.memory_space<semaphore_mem>>, %arg16: memref<!tpu.dma_semaphore, #tpu.memory_space<semaphore_mem>>, %arg17: memref<!tpu.dma_semaphore, #tpu.memory_space<semaphore_mem>>) attributes {dimension_semantics = [#tpu.dimension_semantics<core_parallel>, #tpu.dimension_semantics<subcore_parallel>], iteration_bounds = array<i64: 2, 16>, scalar_prefetch = 0 : i64, scratch_operands = 11 : i64, tpu.core_type = #tpu.core_type<sc_vector_subcore>, window_params = [{transform_indices = #map}, {transform_indices = #map1}, {transform_indices = #map1}, {transform_indices = #map}, {transform_indices = #map1}]} {
    %mul3A = arith.constant 16 : i32
    %mul3A_0 = arith.muli %arg0, %mul3A : i32
    %add3A = arith.addi %mul3A_0, %arg1 : i32
    %mul3A_1 = arith.constant 640 : i32
    %mul3A_2 = arith.muli %arg1, %mul3A_1 : i32
    %mul3A_3 = arith.constant 640 : i32
    %mul3A_4 = arith.muli %arg1, %mul3A_3 : i32
    "tpu.region"() ({
      %run_scoped3A = tpu.sem_alloc : memref<!tpu.dma_semaphore, #tpu.memory_space<semaphore_mem>>
      %dma_start3A_42 = arith.constant 0 : i32
      %dma_start3A_43 = tpu.memref_slice %arg13[%mul3A_4, %dma_start3A_42] : memref<10240x128xf32, #tpu.memory_space<vmem_shared>> -> memref<640x128xf32, #tpu.memory_space<vmem_shared>>
      %dma_start3A_44 = arith.constant 0 : i32
      %dma_start3A_45 = tpu.memref_slice %arg5[%mul3A_2, %dma_start3A_44] : memref<10240x128xf32, #tpu.memory_space<hbm>> -> memref<640x128xf32, #tpu.memory_space<hbm>>
      tpu.enqueue_dma source(%dma_start3A_45 : memref<640x128xf32, #tpu.memory_space<hbm>>) target(%dma_start3A_43 : memref<640x128xf32, #tpu.memory_space<vmem_shared>>) target_semaphore(%run_scoped3A : memref<!tpu.dma_semaphore, #tpu.memory_space<semaphore_mem>>)
      %dma_wait3A = arith.constant 0 : i32
      %dma_wait3A_46 = tpu.memref_slice %arg13[%mul3A_4, %dma_wait3A] : memref<10240x128xf32, #tpu.memory_space<vmem_shared>> -> memref<640x128xf32, #tpu.memory_space<vmem_shared>>
      %dma_wait3A_47 = arith.constant 0 : i32
      %dma_wait3A_48 = tpu.memref_slice %arg5[%mul3A_2, %dma_wait3A_47] : memref<10240x128xf32, #tpu.memory_space<hbm>> -> memref<640x128xf32, #tpu.memory_space<hbm>>
      tpu.wait_dma2 semaphore(%run_scoped3A : memref<!tpu.dma_semaphore, #tpu.memory_space<semaphore_mem>>) src(%dma_wait3A_48 : memref<640x128xf32, #tpu.memory_space<hbm>>) dst(%dma_wait3A_46 : memref<640x128xf32, #tpu.memory_space<vmem_shared>>)
      tpu.yield
    }) : () -> ()
    "tpu.region"() ({
      %run_scoped3A = tpu.sem_alloc : memref<!tpu.dma_semaphore, #tpu.memory_space<semaphore_mem>>
      %dma_start3A_42 = arith.constant 0 : i32
      %dma_start3A_43 = arith.constant 0 : i32
      %dma_start3A_44 = tpu.memref_slice %arg3[%add3A, %dma_start3A_42, %dma_start3A_43] : memref<32x200x50xi32, #tpu.memory_space<hbm>> -> memref<1x200x50xi32, #tpu.memory_space<hbm>>
      %dma_start3A_45 = tpu.memref_squeeze %dma_start3A_44 : memref<1x200x50xi32, #tpu.memory_space<hbm>> -> memref<200x50xi32, #tpu.memory_space<hbm>>
      %dma_start3A_46 = arith.constant 0 : i32
      %dma_start3A_47 = arith.constant 0 : i32
      %dma_start3A_48 = tpu.memref_slice %arg3[%add3A, %dma_start3A_46, %dma_start3A_47] : memref<32x200x50xi32, #tpu.memory_space<hbm>> -> memref<1x200x50xi32, #tpu.memory_space<hbm>>
      %dma_start3A_49 = tpu.memref_squeeze %dma_start3A_48 : memref<1x200x50xi32, #tpu.memory_space<hbm>> -> memref<200x50xi32, #tpu.memory_space<hbm>>
      tpu.enqueue_dma source(%dma_start3A_49 : memref<200x50xi32, #tpu.memory_space<hbm>>) target(%arg7 : memref<200x50xi32, #tpu.memory_space<vmem>>) target_semaphore(%run_scoped3A : memref<!tpu.dma_semaphore, #tpu.memory_space<semaphore_mem>>)
      %dma_wait3A = arith.constant 0 : i32
      %dma_wait3A_50 = arith.constant 0 : i32
      %dma_wait3A_51 = tpu.memref_slice %arg3[%add3A, %dma_wait3A, %dma_wait3A_50] : memref<32x200x50xi32, #tpu.memory_space<hbm>> -> memref<1x200x50xi32, #tpu.memory_space<hbm>>
      %dma_wait3A_52 = tpu.memref_squeeze %dma_wait3A_51 : memref<1x200x50xi32, #tpu.memory_space<hbm>> -> memref<200x50xi32, #tpu.memory_space<hbm>>
      %dma_wait3A_53 = arith.constant 0 : i32
      %dma_wait3A_54 = arith.constant 0 : i32
      %dma_wait3A_55 = tpu.memref_slice %arg3[%add3A, %dma_wait3A_53, %dma_wait3A_54] : memref<32x200x50xi32, #tpu.memory_space<hbm>> -> memref<1x200x50xi32, #tpu.memory_space<hbm>>
      %dma_wait3A_56 = tpu.memref_squeeze %dma_wait3A_55 : memref<1x200x50xi32, #tpu.memory_space<hbm>> -> memref<200x50xi32, #tpu.memory_space<hbm>>
      tpu.wait_dma2 semaphore(%run_scoped3A : memref<!tpu.dma_semaphore, #tpu.memory_space<semaphore_mem>>) src(%dma_wait3A_56 : memref<200x50xi32, #tpu.memory_space<hbm>>) dst(%arg7 : memref<200x50xi32, #tpu.memory_space<vmem>>)
      tpu.yield
    }) : () -> ()
    "tpu.region"() ({
      %run_scoped3A = tpu.sem_alloc : memref<!tpu.dma_semaphore, #tpu.memory_space<semaphore_mem>>
      %dma_start3A_42 = arith.constant 0 : i32
      %dma_start3A_43 = arith.constant 0 : i32
      %dma_start3A_44 = tpu.memref_slice %arg4[%add3A, %dma_start3A_42, %dma_start3A_43] : memref<32x200x50xi32, #tpu.memory_space<hbm>> -> memref<1x200x50xi32, #tpu.memory_space<hbm>>
      %dma_start3A_45 = tpu.memref_squeeze %dma_start3A_44 : memref<1x200x50xi32, #tpu.memory_space<hbm>> -> memref<200x50xi32, #tpu.memory_space<hbm>>
      %dma_start3A_46 = arith.constant 0 : i32
      %dma_start3A_47 = arith.constant 0 : i32
      %dma_start3A_48 = tpu.memref_slice %arg4[%add3A, %dma_start3A_46, %dma_start3A_47] : memref<32x200x50xi32, #tpu.memory_space<hbm>> -> memref<1x200x50xi32, #tpu.memory_space<hbm>>
      %dma_start3A_49 = tpu.memref_squeeze %dma_start3A_48 : memref<1x200x50xi32, #tpu.memory_space<hbm>> -> memref<200x50xi32, #tpu.memory_space<hbm>>
      tpu.enqueue_dma source(%dma_start3A_49 : memref<200x50xi32, #tpu.memory_space<hbm>>) target(%arg8 : memref<200x50xi32, #tpu.memory_space<vmem>>) target_semaphore(%run_scoped3A : memref<!tpu.dma_semaphore, #tpu.memory_space<semaphore_mem>>)
      %dma_wait3A = arith.constant 0 : i32
      %dma_wait3A_50 = arith.constant 0 : i32
      %dma_wait3A_51 = tpu.memref_slice %arg4[%add3A, %dma_wait3A, %dma_wait3A_50] : memref<32x200x50xi32, #tpu.memory_space<hbm>> -> memref<1x200x50xi32, #tpu.memory_space<hbm>>
      %dma_wait3A_52 = tpu.memref_squeeze %dma_wait3A_51 : memref<1x200x50xi32, #tpu.memory_space<hbm>> -> memref<200x50xi32, #tpu.memory_space<hbm>>
      %dma_wait3A_53 = arith.constant 0 : i32
      %dma_wait3A_54 = arith.constant 0 : i32
      %dma_wait3A_55 = tpu.memref_slice %arg4[%add3A, %dma_wait3A_53, %dma_wait3A_54] : memref<32x200x50xi32, #tpu.memory_space<hbm>> -> memref<1x200x50xi32, #tpu.memory_space<hbm>>
      %dma_wait3A_56 = tpu.memref_squeeze %dma_wait3A_55 : memref<1x200x50xi32, #tpu.memory_space<hbm>> -> memref<200x50xi32, #tpu.memory_space<hbm>>
      tpu.wait_dma2 semaphore(%run_scoped3A : memref<!tpu.dma_semaphore, #tpu.memory_space<semaphore_mem>>) src(%dma_wait3A_56 : memref<200x50xi32, #tpu.memory_space<hbm>>) dst(%arg8 : memref<200x50xi32, #tpu.memory_space<vmem>>)
      tpu.yield
    }) : () -> ()
    %barrier3A = arith.constant 0 : index
    tpu.barrier barrier_id(%barrier3A)
    %dma_start3A = arith.constant 0 : i32
    %dma_start3A_5 = arith.constant 0 : i32
    %dma_start3A_6 = tpu.memref_slice %arg7[%dma_start3A, %dma_start3A_5] : memref<200x50xi32, #tpu.memory_space<vmem>> -> memref<1x50xi32, #tpu.memory_space<vmem>>
    %dma_start3A_7 = tpu.memref_squeeze %dma_start3A_6 : memref<1x50xi32, #tpu.memory_space<vmem>> -> memref<50xi32, #tpu.memory_space<vmem>>
    %dma_start3A_8 = arith.constant 0 : i32
    %dma_start3A_9 = arith.constant 0 : i32
    %dma_start3A_10 = tpu.memref_slice %arg2[%dma_start3A_8, %dma_start3A_9] : memref<10000x128xf32, #tpu.memory_space<hbm>> -> memref<10000x128xf32, #tpu.memory_space<hbm>>
    tpu.enqueue_indirect_dma source(%dma_start3A_10 : memref<10000x128xf32, #tpu.memory_space<hbm>>) target(%arg9 : memref<50x128xf32, #tpu.memory_space<vmem>>) offsets(%dma_start3A_7 : memref<50xi32, #tpu.memory_space<vmem>>) semaphore(%arg14 : memref<!tpu.dma_semaphore, #tpu.memory_space<semaphore_mem>>)
    %dma_start3A_11 = arith.constant 1 : i32
    %dma_start3A_12 = arith.constant 0 : i32
    %dma_start3A_13 = tpu.memref_slice %arg7[%dma_start3A_11, %dma_start3A_12] : memref<200x50xi32, #tpu.memory_space<vmem>> -> memref<1x50xi32, #tpu.memory_space<vmem>>
    %dma_start3A_14 = tpu.memref_squeeze %dma_start3A_13 : memref<1x50xi32, #tpu.memory_space<vmem>> -> memref<50xi32, #tpu.memory_space<vmem>>
    %dma_start3A_15 = arith.constant 0 : i32
    %dma_start3A_16 = arith.constant 0 : i32
    %dma_start3A_17 = tpu.memref_slice %arg2[%dma_start3A_15, %dma_start3A_16] : memref<10000x128xf32, #tpu.memory_space<hbm>> -> memref<10000x128xf32, #tpu.memory_space<hbm>>
    tpu.enqueue_indirect_dma source(%dma_start3A_17 : memref<10000x128xf32, #tpu.memory_space<hbm>>) target(%arg10 : memref<50x128xf32, #tpu.memory_space<vmem>>) offsets(%dma_start3A_14 : memref<50xi32, #tpu.memory_space<vmem>>) semaphore(%arg15 : memref<!tpu.dma_semaphore, #tpu.memory_space<semaphore_mem>>)
    %dma_start3A_18 = arith.constant 2 : i32
    %dma_start3A_19 = arith.constant 0 : i32
    %dma_start3A_20 = tpu.memref_slice %arg7[%dma_start3A_18, %dma_start3A_19] : memref<200x50xi32, #tpu.memory_space<vmem>> -> memref<1x50xi32, #tpu.memory_space<vmem>>
    %dma_start3A_21 = tpu.memref_squeeze %dma_start3A_20 : memref<1x50xi32, #tpu.memory_space<vmem>> -> memref<50xi32, #tpu.memory_space<vmem>>
    %dma_start3A_22 = arith.constant 0 : i32
    %dma_start3A_23 = arith.constant 0 : i32
    %dma_start3A_24 = tpu.memref_slice %arg2[%dma_start3A_22, %dma_start3A_23] : memref<10000x128xf32, #tpu.memory_space<hbm>> -> memref<10000x128xf32, #tpu.memory_space<hbm>>
    tpu.enqueue_indirect_dma source(%dma_start3A_24 : memref<10000x128xf32, #tpu.memory_space<hbm>>) target(%arg11 : memref<50x128xf32, #tpu.memory_space<vmem>>) offsets(%dma_start3A_21 : memref<50xi32, #tpu.memory_space<vmem>>) semaphore(%arg16 : memref<!tpu.dma_semaphore, #tpu.memory_space<semaphore_mem>>)
    %dma_start3A_25 = arith.constant 3 : i32
    %dma_start3A_26 = arith.constant 0 : i32
    %dma_start3A_27 = tpu.memref_slice %arg7[%dma_start3A_25, %dma_start3A_26] : memref<200x50xi32, #tpu.memory_space<vmem>> -> memref<1x50xi32, #tpu.memory_space<vmem>>
    %dma_start3A_28 = tpu.memref_squeeze %dma_start3A_27 : memref<1x50xi32, #tpu.memory_space<vmem>> -> memref<50xi32, #tpu.memory_space<vmem>>
    %dma_start3A_29 = arith.constant 0 : i32
    %dma_start3A_30 = arith.constant 0 : i32
    %dma_start3A_31 = tpu.memref_slice %arg2[%dma_start3A_29, %dma_start3A_30] : memref<10000x128xf32, #tpu.memory_space<hbm>> -> memref<10000x128xf32, #tpu.memory_space<hbm>>
    tpu.enqueue_indirect_dma source(%dma_start3A_31 : memref<10000x128xf32, #tpu.memory_space<hbm>>) target(%arg12 : memref<50x128xf32, #tpu.memory_space<vmem>>) offsets(%dma_start3A_28 : memref<50xi32, #tpu.memory_space<vmem>>) semaphore(%arg17 : memref<!tpu.dma_semaphore, #tpu.memory_space<semaphore_mem>>)
    %scan3A = arith.constant 0 : i32
    %scan3A_32 = arith.constant 0 : i32
    %scan3A_33 = arith.constant 50 : i32
    %scan3A_34 = arith.addi %scan3A_32, %scan3A_33 : i32
    %scan3A_35 = arith.constant 1 : i32
    scf.for %scan3A_42 = %scan3A_32 to %scan3A_34 step %scan3A_35  : i32 {
      %mul3A_43 = arith.constant 4 : i32
      %mul3A_44 = arith.muli %scan3A_42, %mul3A_43 : i32
      %add3A_45 = arith.constant 0 : i32
      %add3A_46 = arith.addi %mul3A_44, %add3A_45 : i32
      %dma_wait3A = arith.constant 0 : i32
      %dma_wait3A_47 = arith.constant 0 : i32
      %dma_wait3A_48 = tpu.memref_slice %arg7[%dma_wait3A, %dma_wait3A_47] : memref<200x50xi32, #tpu.memory_space<vmem>> -> memref<1x50xi32, #tpu.memory_space<vmem>>
      %dma_wait3A_49 = tpu.memref_squeeze %dma_wait3A_48 : memref<1x50xi32, #tpu.memory_space<vmem>> -> memref<50xi32, #tpu.memory_space<vmem>>
      %dma_wait3A_50 = arith.constant 0 : i32
      %dma_wait3A_51 = arith.constant 0 : i32
      %dma_wait3A_52 = tpu.memref_slice %arg2[%dma_wait3A_50, %dma_wait3A_51] : memref<10000x128xf32, #tpu.memory_space<hbm>> -> memref<10000x128xf32, #tpu.memory_space<hbm>>
      tpu.wait_indirect_dma semaphore(%arg14 : memref<!tpu.dma_semaphore, #tpu.memory_space<semaphore_mem>>) src(%dma_wait3A_52 : memref<10000x128xf32, #tpu.memory_space<hbm>>) dst(%arg9 : memref<50x128xf32, #tpu.memory_space<vmem>>)
      "tpu.region"() ({
        %run_scoped3A = tpu.sem_alloc : memref<!tpu.dma_semaphore, #tpu.memory_space<semaphore_mem>>
        %dma_start3A_105 = arith.constant 0 : i32
        %dma_start3A_106 = tpu.memref_slice %arg8[%add3A_46, %dma_start3A_105] : memref<200x50xi32, #tpu.memory_space<vmem>> -> memref<1x50xi32, #tpu.memory_space<vmem>>
        %dma_start3A_107 = tpu.memref_squeeze %dma_start3A_106 : memref<1x50xi32, #tpu.memory_space<vmem>> -> memref<50xi32, #tpu.memory_space<vmem>>
        %dma_start3A_108 = arith.constant 0 : i32
        %dma_start3A_109 = arith.constant 0 : i32
        %dma_start3A_110 = tpu.memref_slice %arg13[%dma_start3A_108, %dma_start3A_109] : memref<10240x128xf32, #tpu.memory_space<vmem_shared>> -> memref<10240x128xf32, #tpu.memory_space<vmem_shared>>
        tpu.enqueue_indirect_dma source(%arg9 : memref<50x128xf32, #tpu.memory_space<vmem>>) target(%dma_start3A_110 : memref<10240x128xf32, #tpu.memory_space<vmem_shared>>) offsets(%dma_start3A_107 : memref<50xi32, #tpu.memory_space<vmem>>) semaphore(%run_scoped3A : memref<!tpu.dma_semaphore, #tpu.memory_space<semaphore_mem>>) {add = true}
        %dma_wait3A_111 = arith.constant 0 : i32
        %dma_wait3A_112 = tpu.memref_slice %arg8[%add3A_46, %dma_wait3A_111] : memref<200x50xi32, #tpu.memory_space<vmem>> -> memref<1x50xi32, #tpu.memory_space<vmem>>
        %dma_wait3A_113 = tpu.memref_squeeze %dma_wait3A_112 : memref<1x50xi32, #tpu.memory_space<vmem>> -> memref<50xi32, #tpu.memory_space<vmem>>
        %dma_wait3A_114 = arith.constant 0 : i32
        %dma_wait3A_115 = arith.constant 0 : i32
        %dma_wait3A_116 = tpu.memref_slice %arg13[%dma_wait3A_114, %dma_wait3A_115] : memref<10240x128xf32, #tpu.memory_space<vmem_shared>> -> memref<10240x128xf32, #tpu.memory_space<vmem_shared>>
        tpu.wait_indirect_dma semaphore(%run_scoped3A : memref<!tpu.dma_semaphore, #tpu.memory_space<semaphore_mem>>) src(%arg9 : memref<50x128xf32, #tpu.memory_space<vmem>>) dst(%dma_wait3A_116 : memref<10240x128xf32, #tpu.memory_space<vmem_shared>>)
        tpu.yield
      }) : () -> ()
      %add3A_53 = arith.constant 4 : i32
      %add3A_54 = arith.addi %add3A_46, %add3A_53 : i32
      %lt3A = arith.constant 200 : i32
      %lt3A_55 = arith.cmpi slt, %add3A_54, %lt3A : i32
      %convert_element_type3A = arith.extui %lt3A_55 : i1 to i32
      %cond3A = arith.constant 0 : i32
      %cond3A_56 = arith.cmpi ne, %convert_element_type3A, %cond3A : i32
      scf.if %cond3A_56 {
        %add3A_105 = arith.constant 4 : i32
        %add3A_106 = arith.addi %add3A_46, %add3A_105 : i32
        %dma_start3A_107 = arith.constant 0 : i32
        %dma_start3A_108 = tpu.memref_slice %arg7[%add3A_106, %dma_start3A_107] : memref<200x50xi32, #tpu.memory_space<vmem>> -> memref<1x50xi32, #tpu.memory_space<vmem>>
        %dma_start3A_109 = tpu.memref_squeeze %dma_start3A_108 : memref<1x50xi32, #tpu.memory_space<vmem>> -> memref<50xi32, #tpu.memory_space<vmem>>
        %dma_start3A_110 = arith.constant 0 : i32
        %dma_start3A_111 = arith.constant 0 : i32
        %dma_start3A_112 = tpu.memref_slice %arg2[%dma_start3A_110, %dma_start3A_111] : memref<10000x128xf32, #tpu.memory_space<hbm>> -> memref<10000x128xf32, #tpu.memory_space<hbm>>
        tpu.enqueue_indirect_dma source(%dma_start3A_112 : memref<10000x128xf32, #tpu.memory_space<hbm>>) target(%arg9 : memref<50x128xf32, #tpu.memory_space<vmem>>) offsets(%dma_start3A_109 : memref<50xi32, #tpu.memory_space<vmem>>) semaphore(%arg14 : memref<!tpu.dma_semaphore, #tpu.memory_space<semaphore_mem>>)
      } else {
      }
      %add3A_57 = arith.constant 1 : i32
      %add3A_58 = arith.addi %mul3A_44, %add3A_57 : i32
      %dma_wait3A_59 = arith.constant 0 : i32
      %dma_wait3A_60 = arith.constant 0 : i32
      %dma_wait3A_61 = tpu.memref_slice %arg7[%dma_wait3A_59, %dma_wait3A_60] : memref<200x50xi32, #tpu.memory_space<vmem>> -> memref<1x50xi32, #tpu.memory_space<vmem>>
      %dma_wait3A_62 = tpu.memref_squeeze %dma_wait3A_61 : memref<1x50xi32, #tpu.memory_space<vmem>> -> memref<50xi32, #tpu.memory_space<vmem>>
      %dma_wait3A_63 = arith.constant 0 : i32
      %dma_wait3A_64 = arith.constant 0 : i32
      %dma_wait3A_65 = tpu.memref_slice %arg2[%dma_wait3A_63, %dma_wait3A_64] : memref<10000x128xf32, #tpu.memory_space<hbm>> -> memref<10000x128xf32, #tpu.memory_space<hbm>>
      tpu.wait_indirect_dma semaphore(%arg15 : memref<!tpu.dma_semaphore, #tpu.memory_space<semaphore_mem>>) src(%dma_wait3A_65 : memref<10000x128xf32, #tpu.memory_space<hbm>>) dst(%arg10 : memref<50x128xf32, #tpu.memory_space<vmem>>)
      "tpu.region"() ({
        %run_scoped3A = tpu.sem_alloc : memref<!tpu.dma_semaphore, #tpu.memory_space<semaphore_mem>>
        %dma_start3A_105 = arith.constant 0 : i32
        %dma_start3A_106 = tpu.memref_slice %arg8[%add3A_58, %dma_start3A_105] : memref<200x50xi32, #tpu.memory_space<vmem>> -> memref<1x50xi32, #tpu.memory_space<vmem>>
        %dma_start3A_107 = tpu.memref_squeeze %dma_start3A_106 : memref<1x50xi32, #tpu.memory_space<vmem>> -> memref<50xi32, #tpu.memory_space<vmem>>
        %dma_start3A_108 = arith.constant 0 : i32
        %dma_start3A_109 = arith.constant 0 : i32
        %dma_start3A_110 = tpu.memref_slice %arg13[%dma_start3A_108, %dma_start3A_109] : memref<10240x128xf32, #tpu.memory_space<vmem_shared>> -> memref<10240x128xf32, #tpu.memory_space<vmem_shared>>
        tpu.enqueue_indirect_dma source(%arg10 : memref<50x128xf32, #tpu.memory_space<vmem>>) target(%dma_start3A_110 : memref<10240x128xf32, #tpu.memory_space<vmem_shared>>) offsets(%dma_start3A_107 : memref<50xi32, #tpu.memory_space<vmem>>) semaphore(%run_scoped3A : memref<!tpu.dma_semaphore, #tpu.memory_space<semaphore_mem>>) {add = true}
        %dma_wait3A_111 = arith.constant 0 : i32
        %dma_wait3A_112 = tpu.memref_slice %arg8[%add3A_58, %dma_wait3A_111] : memref<200x50xi32, #tpu.memory_space<vmem>> -> memref<1x50xi32, #tpu.memory_space<vmem>>
        %dma_wait3A_113 = tpu.memref_squeeze %dma_wait3A_112 : memref<1x50xi32, #tpu.memory_space<vmem>> -> memref<50xi32, #tpu.memory_space<vmem>>
        %dma_wait3A_114 = arith.constant 0 : i32
        %dma_wait3A_115 = arith.constant 0 : i32
        %dma_wait3A_116 = tpu.memref_slice %arg13[%dma_wait3A_114, %dma_wait3A_115] : memref<10240x128xf32, #tpu.memory_space<vmem_shared>> -> memref<10240x128xf32, #tpu.memory_space<vmem_shared>>
        tpu.wait_indirect_dma semaphore(%run_scoped3A : memref<!tpu.dma_semaphore, #tpu.memory_space<semaphore_mem>>) src(%arg10 : memref<50x128xf32, #tpu.memory_space<vmem>>) dst(%dma_wait3A_116 : memref<10240x128xf32, #tpu.memory_space<vmem_shared>>)
        tpu.yield
      }) : () -> ()
      %add3A_66 = arith.constant 4 : i32
      %add3A_67 = arith.addi %add3A_58, %add3A_66 : i32
      %lt3A_68 = arith.constant 200 : i32
      %lt3A_69 = arith.cmpi slt, %add3A_67, %lt3A_68 : i32
      %convert_element_type3A_70 = arith.extui %lt3A_69 : i1 to i32
      %cond3A_71 = arith.constant 0 : i32
      %cond3A_72 = arith.cmpi ne, %convert_element_type3A_70, %cond3A_71 : i32
      scf.if %cond3A_72 {
        %add3A_105 = arith.constant 4 : i32
        %add3A_106 = arith.addi %add3A_58, %add3A_105 : i32
        %dma_start3A_107 = arith.constant 0 : i32
        %dma_start3A_108 = tpu.memref_slice %arg7[%add3A_106, %dma_start3A_107] : memref<200x50xi32, #tpu.memory_space<vmem>> -> memref<1x50xi32, #tpu.memory_space<vmem>>
        %dma_start3A_109 = tpu.memref_squeeze %dma_start3A_108 : memref<1x50xi32, #tpu.memory_space<vmem>> -> memref<50xi32, #tpu.memory_space<vmem>>
        %dma_start3A_110 = arith.constant 0 : i32
        %dma_start3A_111 = arith.constant 0 : i32
        %dma_start3A_112 = tpu.memref_slice %arg2[%dma_start3A_110, %dma_start3A_111] : memref<10000x128xf32, #tpu.memory_space<hbm>> -> memref<10000x128xf32, #tpu.memory_space<hbm>>
        tpu.enqueue_indirect_dma source(%dma_start3A_112 : memref<10000x128xf32, #tpu.memory_space<hbm>>) target(%arg10 : memref<50x128xf32, #tpu.memory_space<vmem>>) offsets(%dma_start3A_109 : memref<50xi32, #tpu.memory_space<vmem>>) semaphore(%arg15 : memref<!tpu.dma_semaphore, #tpu.memory_space<semaphore_mem>>)
      } else {
      }
      %add3A_73 = arith.constant 2 : i32
      %add3A_74 = arith.addi %mul3A_44, %add3A_73 : i32
      %dma_wait3A_75 = arith.constant 0 : i32
      %dma_wait3A_76 = arith.constant 0 : i32
      %dma_wait3A_77 = tpu.memref_slice %arg7[%dma_wait3A_75, %dma_wait3A_76] : memref<200x50xi32, #tpu.memory_space<vmem>> -> memref<1x50xi32, #tpu.memory_space<vmem>>
      %dma_wait3A_78 = tpu.memref_squeeze %dma_wait3A_77 : memref<1x50xi32, #tpu.memory_space<vmem>> -> memref<50xi32, #tpu.memory_space<vmem>>
      %dma_wait3A_79 = arith.constant 0 : i32
      %dma_wait3A_80 = arith.constant 0 : i32
      %dma_wait3A_81 = tpu.memref_slice %arg2[%dma_wait3A_79, %dma_wait3A_80] : memref<10000x128xf32, #tpu.memory_space<hbm>> -> memref<10000x128xf32, #tpu.memory_space<hbm>>
      tpu.wait_indirect_dma semaphore(%arg16 : memref<!tpu.dma_semaphore, #tpu.memory_space<semaphore_mem>>) src(%dma_wait3A_81 : memref<10000x128xf32, #tpu.memory_space<hbm>>) dst(%arg11 : memref<50x128xf32, #tpu.memory_space<vmem>>)
      "tpu.region"() ({
        %run_scoped3A = tpu.sem_alloc : memref<!tpu.dma_semaphore, #tpu.memory_space<semaphore_mem>>
        %dma_start3A_105 = arith.constant 0 : i32
        %dma_start3A_106 = tpu.memref_slice %arg8[%add3A_74, %dma_start3A_105] : memref<200x50xi32, #tpu.memory_space<vmem>> -> memref<1x50xi32, #tpu.memory_space<vmem>>
        %dma_start3A_107 = tpu.memref_squeeze %dma_start3A_106 : memref<1x50xi32, #tpu.memory_space<vmem>> -> memref<50xi32, #tpu.memory_space<vmem>>
        %dma_start3A_108 = arith.constant 0 : i32
        %dma_start3A_109 = arith.constant 0 : i32
        %dma_start3A_110 = tpu.memref_slice %arg13[%dma_start3A_108, %dma_start3A_109] : memref<10240x128xf32, #tpu.memory_space<vmem_shared>> -> memref<10240x128xf32, #tpu.memory_space<vmem_shared>>
        tpu.enqueue_indirect_dma source(%arg11 : memref<50x128xf32, #tpu.memory_space<vmem>>) target(%dma_start3A_110 : memref<10240x128xf32, #tpu.memory_space<vmem_shared>>) offsets(%dma_start3A_107 : memref<50xi32, #tpu.memory_space<vmem>>) semaphore(%run_scoped3A : memref<!tpu.dma_semaphore, #tpu.memory_space<semaphore_mem>>) {add = true}
        %dma_wait3A_111 = arith.constant 0 : i32
        %dma_wait3A_112 = tpu.memref_slice %arg8[%add3A_74, %dma_wait3A_111] : memref<200x50xi32, #tpu.memory_space<vmem>> -> memref<1x50xi32, #tpu.memory_space<vmem>>
        %dma_wait3A_113 = tpu.memref_squeeze %dma_wait3A_112 : memref<1x50xi32, #tpu.memory_space<vmem>> -> memref<50xi32, #tpu.memory_space<vmem>>
        %dma_wait3A_114 = arith.constant 0 : i32
        %dma_wait3A_115 = arith.constant 0 : i32
        %dma_wait3A_116 = tpu.memref_slice %arg13[%dma_wait3A_114, %dma_wait3A_115] : memref<10240x128xf32, #tpu.memory_space<vmem_shared>> -> memref<10240x128xf32, #tpu.memory_space<vmem_shared>>
        tpu.wait_indirect_dma semaphore(%run_scoped3A : memref<!tpu.dma_semaphore, #tpu.memory_space<semaphore_mem>>) src(%arg11 : memref<50x128xf32, #tpu.memory_space<vmem>>) dst(%dma_wait3A_116 : memref<10240x128xf32, #tpu.memory_space<vmem_shared>>)
        tpu.yield
      }) : () -> ()
      %add3A_82 = arith.constant 4 : i32
      %add3A_83 = arith.addi %add3A_74, %add3A_82 : i32
      %lt3A_84 = arith.constant 200 : i32
      %lt3A_85 = arith.cmpi slt, %add3A_83, %lt3A_84 : i32
      %convert_element_type3A_86 = arith.extui %lt3A_85 : i1 to i32
      %cond3A_87 = arith.constant 0 : i32
      %cond3A_88 = arith.cmpi ne, %convert_element_type3A_86, %cond3A_87 : i32
      scf.if %cond3A_88 {
        %add3A_105 = arith.constant 4 : i32
        %add3A_106 = arith.addi %add3A_74, %add3A_105 : i32
        %dma_start3A_107 = arith.constant 0 : i32
        %dma_start3A_108 = tpu.memref_slice %arg7[%add3A_106, %dma_start3A_107] : memref<200x50xi32, #tpu.memory_space<vmem>> -> memref<1x50xi32, #tpu.memory_space<vmem>>
        %dma_start3A_109 = tpu.memref_squeeze %dma_start3A_108 : memref<1x50xi32, #tpu.memory_space<vmem>> -> memref<50xi32, #tpu.memory_space<vmem>>
        %dma_start3A_110 = arith.constant 0 : i32
        %dma_start3A_111 = arith.constant 0 : i32
        %dma_start3A_112 = tpu.memref_slice %arg2[%dma_start3A_110, %dma_start3A_111] : memref<10000x128xf32, #tpu.memory_space<hbm>> -> memref<10000x128xf32, #tpu.memory_space<hbm>>
        tpu.enqueue_indirect_dma source(%dma_start3A_112 : memref<10000x128xf32, #tpu.memory_space<hbm>>) target(%arg11 : memref<50x128xf32, #tpu.memory_space<vmem>>) offsets(%dma_start3A_109 : memref<50xi32, #tpu.memory_space<vmem>>) semaphore(%arg16 : memref<!tpu.dma_semaphore, #tpu.memory_space<semaphore_mem>>)
      } else {
      }
      %add3A_89 = arith.constant 3 : i32
      %add3A_90 = arith.addi %mul3A_44, %add3A_89 : i32
      %dma_wait3A_91 = arith.constant 0 : i32
      %dma_wait3A_92 = arith.constant 0 : i32
      %dma_wait3A_93 = tpu.memref_slice %arg7[%dma_wait3A_91, %dma_wait3A_92] : memref<200x50xi32, #tpu.memory_space<vmem>> -> memref<1x50xi32, #tpu.memory_space<vmem>>
      %dma_wait3A_94 = tpu.memref_squeeze %dma_wait3A_93 : memref<1x50xi32, #tpu.memory_space<vmem>> -> memref<50xi32, #tpu.memory_space<vmem>>
      %dma_wait3A_95 = arith.constant 0 : i32
      %dma_wait3A_96 = arith.constant 0 : i32
      %dma_wait3A_97 = tpu.memref_slice %arg2[%dma_wait3A_95, %dma_wait3A_96] : memref<10000x128xf32, #tpu.memory_space<hbm>> -> memref<10000x128xf32, #tpu.memory_space<hbm>>
      tpu.wait_indirect_dma semaphore(%arg17 : memref<!tpu.dma_semaphore, #tpu.memory_space<semaphore_mem>>) src(%dma_wait3A_97 : memref<10000x128xf32, #tpu.memory_space<hbm>>) dst(%arg12 : memref<50x128xf32, #tpu.memory_space<vmem>>)
      "tpu.region"() ({
        %run_scoped3A = tpu.sem_alloc : memref<!tpu.dma_semaphore, #tpu.memory_space<semaphore_mem>>
        %dma_start3A_105 = arith.constant 0 : i32
        %dma_start3A_106 = tpu.memref_slice %arg8[%add3A_90, %dma_start3A_105] : memref<200x50xi32, #tpu.memory_space<vmem>> -> memref<1x50xi32, #tpu.memory_space<vmem>>
        %dma_start3A_107 = tpu.memref_squeeze %dma_start3A_106 : memref<1x50xi32, #tpu.memory_space<vmem>> -> memref<50xi32, #tpu.memory_space<vmem>>
        %dma_start3A_108 = arith.constant 0 : i32
        %dma_start3A_109 = arith.constant 0 : i32
        %dma_start3A_110 = tpu.memref_slice %arg13[%dma_start3A_108, %dma_start3A_109] : memref<10240x128xf32, #tpu.memory_space<vmem_shared>> -> memref<10240x128xf32, #tpu.memory_space<vmem_shared>>
        tpu.enqueue_indirect_dma source(%arg12 : memref<50x128xf32, #tpu.memory_space<vmem>>) target(%dma_start3A_110 : memref<10240x128xf32, #tpu.memory_space<vmem_shared>>) offsets(%dma_start3A_107 : memref<50xi32, #tpu.memory_space<vmem>>) semaphore(%run_scoped3A : memref<!tpu.dma_semaphore, #tpu.memory_space<semaphore_mem>>) {add = true}
        %dma_wait3A_111 = arith.constant 0 : i32
        %dma_wait3A_112 = tpu.memref_slice %arg8[%add3A_90, %dma_wait3A_111] : memref<200x50xi32, #tpu.memory_space<vmem>> -> memref<1x50xi32, #tpu.memory_space<vmem>>
        %dma_wait3A_113 = tpu.memref_squeeze %dma_wait3A_112 : memref<1x50xi32, #tpu.memory_space<vmem>> -> memref<50xi32, #tpu.memory_space<vmem>>
        %dma_wait3A_114 = arith.constant 0 : i32
        %dma_wait3A_115 = arith.constant 0 : i32
        %dma_wait3A_116 = tpu.memref_slice %arg13[%dma_wait3A_114, %dma_wait3A_115] : memref<10240x128xf32, #tpu.memory_space<vmem_shared>> -> memref<10240x128xf32, #tpu.memory_space<vmem_shared>>
        tpu.wait_indirect_dma semaphore(%run_scoped3A : memref<!tpu.dma_semaphore, #tpu.memory_space<semaphore_mem>>) src(%arg12 : memref<50x128xf32, #tpu.memory_space<vmem>>) dst(%dma_wait3A_116 : memref<10240x128xf32, #tpu.memory_space<vmem_shared>>)
        tpu.yield
      }) : () -> ()
      %add3A_98 = arith.constant 4 : i32
      %add3A_99 = arith.addi %add3A_90, %add3A_98 : i32
      %lt3A_100 = arith.constant 200 : i32
      %lt3A_101 = arith.cmpi slt, %add3A_99, %lt3A_100 : i32
      %convert_element_type3A_102 = arith.extui %lt3A_101 : i1 to i32
      %cond3A_103 = arith.constant 0 : i32
      %cond3A_104 = arith.cmpi ne, %convert_element_type3A_102, %cond3A_103 : i32
      scf.if %cond3A_104 {
        %add3A_105 = arith.constant 4 : i32
        %add3A_106 = arith.addi %add3A_90, %add3A_105 : i32
        %dma_start3A_107 = arith.constant 0 : i32
        %dma_start3A_108 = tpu.memref_slice %arg7[%add3A_106, %dma_start3A_107] : memref<200x50xi32, #tpu.memory_space<vmem>> -> memref<1x50xi32, #tpu.memory_space<vmem>>
        %dma_start3A_109 = tpu.memref_squeeze %dma_start3A_108 : memref<1x50xi32, #tpu.memory_space<vmem>> -> memref<50xi32, #tpu.memory_space<vmem>>
        %dma_start3A_110 = arith.constant 0 : i32
        %dma_start3A_111 = arith.constant 0 : i32
        %dma_start3A_112 = tpu.memref_slice %arg2[%dma_start3A_110, %dma_start3A_111] : memref<10000x128xf32, #tpu.memory_space<hbm>> -> memref<10000x128xf32, #tpu.memory_space<hbm>>
        tpu.enqueue_indirect_dma source(%dma_start3A_112 : memref<10000x128xf32, #tpu.memory_space<hbm>>) target(%arg12 : memref<50x128xf32, #tpu.memory_space<vmem>>) offsets(%dma_start3A_109 : memref<50xi32, #tpu.memory_space<vmem>>) semaphore(%arg17 : memref<!tpu.dma_semaphore, #tpu.memory_space<semaphore_mem>>)
      } else {
      }
    }
    %scan3A_36 = arith.constant 50 : i32
    %barrier3A_37 = arith.constant 0 : index
    tpu.barrier barrier_id(%barrier3A_37)
    %mul3A_38 = arith.constant 640 : i32
    %mul3A_39 = arith.muli %arg1, %mul3A_38 : i32
    %mul3A_40 = arith.constant 640 : i32
    %mul3A_41 = arith.muli %arg1, %mul3A_40 : i32
    "tpu.region"() ({
      %run_scoped3A = tpu.sem_alloc : memref<!tpu.dma_semaphore, #tpu.memory_space<semaphore_mem>>
      %dma_start3A_42 = arith.constant 0 : i32
      %dma_start3A_43 = tpu.memref_slice %arg6[%arg0, %mul3A_41, %dma_start3A_42] : memref<2x10240x128xf32, #tpu.memory_space<hbm>> -> memref<1x640x128xf32, #tpu.memory_space<hbm>>
      %dma_start3A_44 = tpu.memref_squeeze %dma_start3A_43 : memref<1x640x128xf32, #tpu.memory_space<hbm>> -> memref<640x128xf32, #tpu.memory_space<hbm>>
      %dma_start3A_45 = arith.constant 0 : i32
      %dma_start3A_46 = tpu.memref_slice %arg13[%mul3A_39, %dma_start3A_45] : memref<10240x128xf32, #tpu.memory_space<vmem_shared>> -> memref<640x128xf32, #tpu.memory_space<vmem_shared>>
      tpu.enqueue_dma source(%dma_start3A_46 : memref<640x128xf32, #tpu.memory_space<vmem_shared>>) target(%dma_start3A_44 : memref<640x128xf32, #tpu.memory_space<hbm>>) target_semaphore(%run_scoped3A : memref<!tpu.dma_semaphore, #tpu.memory_space<semaphore_mem>>)
      %dma_wait3A = arith.constant 0 : i32
      %dma_wait3A_47 = tpu.memref_slice %arg6[%arg0, %mul3A_41, %dma_wait3A] : memref<2x10240x128xf32, #tpu.memory_space<hbm>> -> memref<1x640x128xf32, #tpu.memory_space<hbm>>
      %dma_wait3A_48 = tpu.memref_squeeze %dma_wait3A_47 : memref<1x640x128xf32, #tpu.memory_space<hbm>> -> memref<640x128xf32, #tpu.memory_space<hbm>>
      %dma_wait3A_49 = arith.constant 0 : i32
      %dma_wait3A_50 = tpu.memref_slice %arg13[%mul3A_39, %dma_wait3A_49] : memref<10240x128xf32, #tpu.memory_space<vmem_shared>> -> memref<640x128xf32, #tpu.memory_space<vmem_shared>>
      tpu.wait_dma2 semaphore(%run_scoped3A : memref<!tpu.dma_semaphore, #tpu.memory_space<semaphore_mem>>) src(%dma_wait3A_50 : memref<640x128xf32, #tpu.memory_space<vmem_shared>>) dst(%dma_wait3A_48 : memref<640x128xf32, #tpu.memory_space<hbm>>)
      tpu.yield
    }) : () -> ()
    return
  }
}

#map = affine_map<(d0, d1) -> (0, 0)>
#map1 = affine_map<(d0, d1) -> (0, 0, 0)>
module attributes {stable_mosaic.version = 14 : i64} {
  func.func @seg(%arg0: i32, %arg1: i32, %arg2: memref<10000x48xf32, #tpu.memory_space<hbm>>, %arg3: memref<32x80x125xi32, #tpu.memory_space<hbm>>, %arg4: memref<32x80x125xi32, #tpu.memory_space<hbm>>, %arg5: memref<10240x48xf32, #tpu.memory_space<hbm>>, %arg6: memref<2x10240x48xf32, #tpu.memory_space<hbm>>, %arg7: memref<80x125xi32, #tpu.memory_space<vmem>>, %arg8: memref<80x125xi32, #tpu.memory_space<vmem>>, %arg9: memref<125x48xf32, #tpu.memory_space<vmem>>, %arg10: memref<125x48xf32, #tpu.memory_space<vmem>>, %arg11: memref<125x48xf32, #tpu.memory_space<vmem>>, %arg12: memref<125x48xf32, #tpu.memory_space<vmem>>, %arg13: memref<10240x48xf32, #tpu.memory_space<vmem_shared>>, %arg14: memref<!tpu.dma_semaphore, #tpu.memory_space<semaphore_mem>>, %arg15: memref<!tpu.dma_semaphore, #tpu.memory_space<semaphore_mem>>, %arg16: memref<!tpu.dma_semaphore, #tpu.memory_space<semaphore_mem>>, %arg17: memref<!tpu.dma_semaphore, #tpu.memory_space<semaphore_mem>>) attributes {dimension_semantics = [#tpu.dimension_semantics<core_parallel>, #tpu.dimension_semantics<subcore_parallel>], iteration_bounds = array<i64: 2, 16>, scalar_prefetch = 0 : i64, scratch_operands = 11 : i64, tpu.core_type = #tpu.core_type<sc_vector_subcore>, window_params = [{transform_indices = #map}, {transform_indices = #map1}, {transform_indices = #map1}, {transform_indices = #map}, {transform_indices = #map1}]} {
    %mul3A = arith.constant 16 : i32
    %mul3A_0 = arith.muli %arg0, %mul3A : i32
    %add3A = arith.addi %mul3A_0, %arg1 : i32
    %mul3A_1 = arith.constant 640 : i32
    %mul3A_2 = arith.muli %arg1, %mul3A_1 : i32
    %mul3A_3 = arith.constant 640 : i32
    %mul3A_4 = arith.muli %arg1, %mul3A_3 : i32
    "tpu.region"() ({
      %run_scoped3A = tpu.sem_alloc : memref<!tpu.dma_semaphore, #tpu.memory_space<semaphore_mem>>
      %dma_start3A_42 = arith.constant 0 : i32
      %dma_start3A_43 = tpu.memref_slice %arg13[%mul3A_4, %dma_start3A_42] : memref<10240x48xf32, #tpu.memory_space<vmem_shared>> -> memref<640x48xf32, #tpu.memory_space<vmem_shared>>
      %dma_start3A_44 = arith.constant 0 : i32
      %dma_start3A_45 = tpu.memref_slice %arg5[%mul3A_2, %dma_start3A_44] : memref<10240x48xf32, #tpu.memory_space<hbm>> -> memref<640x48xf32, #tpu.memory_space<hbm>>
      tpu.enqueue_dma source(%dma_start3A_45 : memref<640x48xf32, #tpu.memory_space<hbm>>) target(%dma_start3A_43 : memref<640x48xf32, #tpu.memory_space<vmem_shared>>) target_semaphore(%run_scoped3A : memref<!tpu.dma_semaphore, #tpu.memory_space<semaphore_mem>>)
      %dma_wait3A = arith.constant 0 : i32
      %dma_wait3A_46 = tpu.memref_slice %arg13[%mul3A_4, %dma_wait3A] : memref<10240x48xf32, #tpu.memory_space<vmem_shared>> -> memref<640x48xf32, #tpu.memory_space<vmem_shared>>
      %dma_wait3A_47 = arith.constant 0 : i32
      %dma_wait3A_48 = tpu.memref_slice %arg5[%mul3A_2, %dma_wait3A_47] : memref<10240x48xf32, #tpu.memory_space<hbm>> -> memref<640x48xf32, #tpu.memory_space<hbm>>
      tpu.wait_dma2 semaphore(%run_scoped3A : memref<!tpu.dma_semaphore, #tpu.memory_space<semaphore_mem>>) src(%dma_wait3A_48 : memref<640x48xf32, #tpu.memory_space<hbm>>) dst(%dma_wait3A_46 : memref<640x48xf32, #tpu.memory_space<vmem_shared>>)
      tpu.yield
    }) : () -> ()
    "tpu.region"() ({
      %run_scoped3A = tpu.sem_alloc : memref<!tpu.dma_semaphore, #tpu.memory_space<semaphore_mem>>
      %dma_start3A_42 = arith.constant 0 : i32
      %dma_start3A_43 = arith.constant 0 : i32
      %dma_start3A_44 = tpu.memref_slice %arg3[%add3A, %dma_start3A_42, %dma_start3A_43] : memref<32x80x125xi32, #tpu.memory_space<hbm>> -> memref<1x80x125xi32, #tpu.memory_space<hbm>>
      %dma_start3A_45 = tpu.memref_squeeze %dma_start3A_44 : memref<1x80x125xi32, #tpu.memory_space<hbm>> -> memref<80x125xi32, #tpu.memory_space<hbm>>
      %dma_start3A_46 = arith.constant 0 : i32
      %dma_start3A_47 = arith.constant 0 : i32
      %dma_start3A_48 = tpu.memref_slice %arg3[%add3A, %dma_start3A_46, %dma_start3A_47] : memref<32x80x125xi32, #tpu.memory_space<hbm>> -> memref<1x80x125xi32, #tpu.memory_space<hbm>>
      %dma_start3A_49 = tpu.memref_squeeze %dma_start3A_48 : memref<1x80x125xi32, #tpu.memory_space<hbm>> -> memref<80x125xi32, #tpu.memory_space<hbm>>
      tpu.enqueue_dma source(%dma_start3A_49 : memref<80x125xi32, #tpu.memory_space<hbm>>) target(%arg7 : memref<80x125xi32, #tpu.memory_space<vmem>>) target_semaphore(%run_scoped3A : memref<!tpu.dma_semaphore, #tpu.memory_space<semaphore_mem>>)
      %dma_wait3A = arith.constant 0 : i32
      %dma_wait3A_50 = arith.constant 0 : i32
      %dma_wait3A_51 = tpu.memref_slice %arg3[%add3A, %dma_wait3A, %dma_wait3A_50] : memref<32x80x125xi32, #tpu.memory_space<hbm>> -> memref<1x80x125xi32, #tpu.memory_space<hbm>>
      %dma_wait3A_52 = tpu.memref_squeeze %dma_wait3A_51 : memref<1x80x125xi32, #tpu.memory_space<hbm>> -> memref<80x125xi32, #tpu.memory_space<hbm>>
      %dma_wait3A_53 = arith.constant 0 : i32
      %dma_wait3A_54 = arith.constant 0 : i32
      %dma_wait3A_55 = tpu.memref_slice %arg3[%add3A, %dma_wait3A_53, %dma_wait3A_54] : memref<32x80x125xi32, #tpu.memory_space<hbm>> -> memref<1x80x125xi32, #tpu.memory_space<hbm>>
      %dma_wait3A_56 = tpu.memref_squeeze %dma_wait3A_55 : memref<1x80x125xi32, #tpu.memory_space<hbm>> -> memref<80x125xi32, #tpu.memory_space<hbm>>
      tpu.wait_dma2 semaphore(%run_scoped3A : memref<!tpu.dma_semaphore, #tpu.memory_space<semaphore_mem>>) src(%dma_wait3A_56 : memref<80x125xi32, #tpu.memory_space<hbm>>) dst(%arg7 : memref<80x125xi32, #tpu.memory_space<vmem>>)
      tpu.yield
    }) : () -> ()
    "tpu.region"() ({
      %run_scoped3A = tpu.sem_alloc : memref<!tpu.dma_semaphore, #tpu.memory_space<semaphore_mem>>
      %dma_start3A_42 = arith.constant 0 : i32
      %dma_start3A_43 = arith.constant 0 : i32
      %dma_start3A_44 = tpu.memref_slice %arg4[%add3A, %dma_start3A_42, %dma_start3A_43] : memref<32x80x125xi32, #tpu.memory_space<hbm>> -> memref<1x80x125xi32, #tpu.memory_space<hbm>>
      %dma_start3A_45 = tpu.memref_squeeze %dma_start3A_44 : memref<1x80x125xi32, #tpu.memory_space<hbm>> -> memref<80x125xi32, #tpu.memory_space<hbm>>
      %dma_start3A_46 = arith.constant 0 : i32
      %dma_start3A_47 = arith.constant 0 : i32
      %dma_start3A_48 = tpu.memref_slice %arg4[%add3A, %dma_start3A_46, %dma_start3A_47] : memref<32x80x125xi32, #tpu.memory_space<hbm>> -> memref<1x80x125xi32, #tpu.memory_space<hbm>>
      %dma_start3A_49 = tpu.memref_squeeze %dma_start3A_48 : memref<1x80x125xi32, #tpu.memory_space<hbm>> -> memref<80x125xi32, #tpu.memory_space<hbm>>
      tpu.enqueue_dma source(%dma_start3A_49 : memref<80x125xi32, #tpu.memory_space<hbm>>) target(%arg8 : memref<80x125xi32, #tpu.memory_space<vmem>>) target_semaphore(%run_scoped3A : memref<!tpu.dma_semaphore, #tpu.memory_space<semaphore_mem>>)
      %dma_wait3A = arith.constant 0 : i32
      %dma_wait3A_50 = arith.constant 0 : i32
      %dma_wait3A_51 = tpu.memref_slice %arg4[%add3A, %dma_wait3A, %dma_wait3A_50] : memref<32x80x125xi32, #tpu.memory_space<hbm>> -> memref<1x80x125xi32, #tpu.memory_space<hbm>>
      %dma_wait3A_52 = tpu.memref_squeeze %dma_wait3A_51 : memref<1x80x125xi32, #tpu.memory_space<hbm>> -> memref<80x125xi32, #tpu.memory_space<hbm>>
      %dma_wait3A_53 = arith.constant 0 : i32
      %dma_wait3A_54 = arith.constant 0 : i32
      %dma_wait3A_55 = tpu.memref_slice %arg4[%add3A, %dma_wait3A_53, %dma_wait3A_54] : memref<32x80x125xi32, #tpu.memory_space<hbm>> -> memref<1x80x125xi32, #tpu.memory_space<hbm>>
      %dma_wait3A_56 = tpu.memref_squeeze %dma_wait3A_55 : memref<1x80x125xi32, #tpu.memory_space<hbm>> -> memref<80x125xi32, #tpu.memory_space<hbm>>
      tpu.wait_dma2 semaphore(%run_scoped3A : memref<!tpu.dma_semaphore, #tpu.memory_space<semaphore_mem>>) src(%dma_wait3A_56 : memref<80x125xi32, #tpu.memory_space<hbm>>) dst(%arg8 : memref<80x125xi32, #tpu.memory_space<vmem>>)
      tpu.yield
    }) : () -> ()
    %barrier3A = arith.constant 0 : index
    tpu.barrier barrier_id(%barrier3A)
    %dma_start3A = arith.constant 0 : i32
    %dma_start3A_5 = arith.constant 0 : i32
    %dma_start3A_6 = tpu.memref_slice %arg7[%dma_start3A, %dma_start3A_5] : memref<80x125xi32, #tpu.memory_space<vmem>> -> memref<1x125xi32, #tpu.memory_space<vmem>>
    %dma_start3A_7 = tpu.memref_squeeze %dma_start3A_6 : memref<1x125xi32, #tpu.memory_space<vmem>> -> memref<125xi32, #tpu.memory_space<vmem>>
    %dma_start3A_8 = arith.constant 0 : i32
    %dma_start3A_9 = arith.constant 0 : i32
    %dma_start3A_10 = tpu.memref_slice %arg2[%dma_start3A_8, %dma_start3A_9] : memref<10000x48xf32, #tpu.memory_space<hbm>> -> memref<10000x48xf32, #tpu.memory_space<hbm>>
    tpu.enqueue_indirect_dma source(%dma_start3A_10 : memref<10000x48xf32, #tpu.memory_space<hbm>>) target(%arg9 : memref<125x48xf32, #tpu.memory_space<vmem>>) offsets(%dma_start3A_7 : memref<125xi32, #tpu.memory_space<vmem>>) semaphore(%arg14 : memref<!tpu.dma_semaphore, #tpu.memory_space<semaphore_mem>>)
    %dma_start3A_11 = arith.constant 1 : i32
    %dma_start3A_12 = arith.constant 0 : i32
    %dma_start3A_13 = tpu.memref_slice %arg7[%dma_start3A_11, %dma_start3A_12] : memref<80x125xi32, #tpu.memory_space<vmem>> -> memref<1x125xi32, #tpu.memory_space<vmem>>
    %dma_start3A_14 = tpu.memref_squeeze %dma_start3A_13 : memref<1x125xi32, #tpu.memory_space<vmem>> -> memref<125xi32, #tpu.memory_space<vmem>>
    %dma_start3A_15 = arith.constant 0 : i32
    %dma_start3A_16 = arith.constant 0 : i32
    %dma_start3A_17 = tpu.memref_slice %arg2[%dma_start3A_15, %dma_start3A_16] : memref<10000x48xf32, #tpu.memory_space<hbm>> -> memref<10000x48xf32, #tpu.memory_space<hbm>>
    tpu.enqueue_indirect_dma source(%dma_start3A_17 : memref<10000x48xf32, #tpu.memory_space<hbm>>) target(%arg10 : memref<125x48xf32, #tpu.memory_space<vmem>>) offsets(%dma_start3A_14 : memref<125xi32, #tpu.memory_space<vmem>>) semaphore(%arg15 : memref<!tpu.dma_semaphore, #tpu.memory_space<semaphore_mem>>)
    %dma_start3A_18 = arith.constant 2 : i32
    %dma_start3A_19 = arith.constant 0 : i32
    %dma_start3A_20 = tpu.memref_slice %arg7[%dma_start3A_18, %dma_start3A_19] : memref<80x125xi32, #tpu.memory_space<vmem>> -> memref<1x125xi32, #tpu.memory_space<vmem>>
    %dma_start3A_21 = tpu.memref_squeeze %dma_start3A_20 : memref<1x125xi32, #tpu.memory_space<vmem>> -> memref<125xi32, #tpu.memory_space<vmem>>
    %dma_start3A_22 = arith.constant 0 : i32
    %dma_start3A_23 = arith.constant 0 : i32
    %dma_start3A_24 = tpu.memref_slice %arg2[%dma_start3A_22, %dma_start3A_23] : memref<10000x48xf32, #tpu.memory_space<hbm>> -> memref<10000x48xf32, #tpu.memory_space<hbm>>
    tpu.enqueue_indirect_dma source(%dma_start3A_24 : memref<10000x48xf32, #tpu.memory_space<hbm>>) target(%arg11 : memref<125x48xf32, #tpu.memory_space<vmem>>) offsets(%dma_start3A_21 : memref<125xi32, #tpu.memory_space<vmem>>) semaphore(%arg16 : memref<!tpu.dma_semaphore, #tpu.memory_space<semaphore_mem>>)
    %dma_start3A_25 = arith.constant 3 : i32
    %dma_start3A_26 = arith.constant 0 : i32
    %dma_start3A_27 = tpu.memref_slice %arg7[%dma_start3A_25, %dma_start3A_26] : memref<80x125xi32, #tpu.memory_space<vmem>> -> memref<1x125xi32, #tpu.memory_space<vmem>>
    %dma_start3A_28 = tpu.memref_squeeze %dma_start3A_27 : memref<1x125xi32, #tpu.memory_space<vmem>> -> memref<125xi32, #tpu.memory_space<vmem>>
    %dma_start3A_29 = arith.constant 0 : i32
    %dma_start3A_30 = arith.constant 0 : i32
    %dma_start3A_31 = tpu.memref_slice %arg2[%dma_start3A_29, %dma_start3A_30] : memref<10000x48xf32, #tpu.memory_space<hbm>> -> memref<10000x48xf32, #tpu.memory_space<hbm>>
    tpu.enqueue_indirect_dma source(%dma_start3A_31 : memref<10000x48xf32, #tpu.memory_space<hbm>>) target(%arg12 : memref<125x48xf32, #tpu.memory_space<vmem>>) offsets(%dma_start3A_28 : memref<125xi32, #tpu.memory_space<vmem>>) semaphore(%arg17 : memref<!tpu.dma_semaphore, #tpu.memory_space<semaphore_mem>>)
    %scan3A = arith.constant 0 : i32
    %scan3A_32 = arith.constant 0 : i32
    %scan3A_33 = arith.constant 20 : i32
    %scan3A_34 = arith.addi %scan3A_32, %scan3A_33 : i32
    %scan3A_35 = arith.constant 1 : i32
    scf.for %scan3A_42 = %scan3A_32 to %scan3A_34 step %scan3A_35  : i32 {
      %mul3A_43 = arith.constant 4 : i32
      %mul3A_44 = arith.muli %scan3A_42, %mul3A_43 : i32
      %add3A_45 = arith.constant 0 : i32
      %add3A_46 = arith.addi %mul3A_44, %add3A_45 : i32
      %dma_wait3A = arith.constant 0 : i32
      %dma_wait3A_47 = arith.constant 0 : i32
      %dma_wait3A_48 = tpu.memref_slice %arg7[%dma_wait3A, %dma_wait3A_47] : memref<80x125xi32, #tpu.memory_space<vmem>> -> memref<1x125xi32, #tpu.memory_space<vmem>>
      %dma_wait3A_49 = tpu.memref_squeeze %dma_wait3A_48 : memref<1x125xi32, #tpu.memory_space<vmem>> -> memref<125xi32, #tpu.memory_space<vmem>>
      %dma_wait3A_50 = arith.constant 0 : i32
      %dma_wait3A_51 = arith.constant 0 : i32
      %dma_wait3A_52 = tpu.memref_slice %arg2[%dma_wait3A_50, %dma_wait3A_51] : memref<10000x48xf32, #tpu.memory_space<hbm>> -> memref<10000x48xf32, #tpu.memory_space<hbm>>
      tpu.wait_indirect_dma semaphore(%arg14 : memref<!tpu.dma_semaphore, #tpu.memory_space<semaphore_mem>>) src(%dma_wait3A_52 : memref<10000x48xf32, #tpu.memory_space<hbm>>) dst(%arg9 : memref<125x48xf32, #tpu.memory_space<vmem>>)
      "tpu.region"() ({
        %run_scoped3A = tpu.sem_alloc : memref<!tpu.dma_semaphore, #tpu.memory_space<semaphore_mem>>
        %dma_start3A_105 = arith.constant 0 : i32
        %dma_start3A_106 = tpu.memref_slice %arg8[%add3A_46, %dma_start3A_105] : memref<80x125xi32, #tpu.memory_space<vmem>> -> memref<1x125xi32, #tpu.memory_space<vmem>>
        %dma_start3A_107 = tpu.memref_squeeze %dma_start3A_106 : memref<1x125xi32, #tpu.memory_space<vmem>> -> memref<125xi32, #tpu.memory_space<vmem>>
        %dma_start3A_108 = arith.constant 0 : i32
        %dma_start3A_109 = arith.constant 0 : i32
        %dma_start3A_110 = tpu.memref_slice %arg13[%dma_start3A_108, %dma_start3A_109] : memref<10240x48xf32, #tpu.memory_space<vmem_shared>> -> memref<10240x48xf32, #tpu.memory_space<vmem_shared>>
        tpu.enqueue_indirect_dma source(%arg9 : memref<125x48xf32, #tpu.memory_space<vmem>>) target(%dma_start3A_110 : memref<10240x48xf32, #tpu.memory_space<vmem_shared>>) offsets(%dma_start3A_107 : memref<125xi32, #tpu.memory_space<vmem>>) semaphore(%run_scoped3A : memref<!tpu.dma_semaphore, #tpu.memory_space<semaphore_mem>>) {add = true}
        %dma_wait3A_111 = arith.constant 0 : i32
        %dma_wait3A_112 = tpu.memref_slice %arg8[%add3A_46, %dma_wait3A_111] : memref<80x125xi32, #tpu.memory_space<vmem>> -> memref<1x125xi32, #tpu.memory_space<vmem>>
        %dma_wait3A_113 = tpu.memref_squeeze %dma_wait3A_112 : memref<1x125xi32, #tpu.memory_space<vmem>> -> memref<125xi32, #tpu.memory_space<vmem>>
        %dma_wait3A_114 = arith.constant 0 : i32
        %dma_wait3A_115 = arith.constant 0 : i32
        %dma_wait3A_116 = tpu.memref_slice %arg13[%dma_wait3A_114, %dma_wait3A_115] : memref<10240x48xf32, #tpu.memory_space<vmem_shared>> -> memref<10240x48xf32, #tpu.memory_space<vmem_shared>>
        tpu.wait_indirect_dma semaphore(%run_scoped3A : memref<!tpu.dma_semaphore, #tpu.memory_space<semaphore_mem>>) src(%arg9 : memref<125x48xf32, #tpu.memory_space<vmem>>) dst(%dma_wait3A_116 : memref<10240x48xf32, #tpu.memory_space<vmem_shared>>)
        tpu.yield
      }) : () -> ()
      %add3A_53 = arith.constant 4 : i32
      %add3A_54 = arith.addi %add3A_46, %add3A_53 : i32
      %lt3A = arith.constant 80 : i32
      %lt3A_55 = arith.cmpi slt, %add3A_54, %lt3A : i32
      %convert_element_type3A = arith.extui %lt3A_55 : i1 to i32
      %cond3A = arith.constant 0 : i32
      %cond3A_56 = arith.cmpi ne, %convert_element_type3A, %cond3A : i32
      scf.if %cond3A_56 {
        %add3A_105 = arith.constant 4 : i32
        %add3A_106 = arith.addi %add3A_46, %add3A_105 : i32
        %dma_start3A_107 = arith.constant 0 : i32
        %dma_start3A_108 = tpu.memref_slice %arg7[%add3A_106, %dma_start3A_107] : memref<80x125xi32, #tpu.memory_space<vmem>> -> memref<1x125xi32, #tpu.memory_space<vmem>>
        %dma_start3A_109 = tpu.memref_squeeze %dma_start3A_108 : memref<1x125xi32, #tpu.memory_space<vmem>> -> memref<125xi32, #tpu.memory_space<vmem>>
        %dma_start3A_110 = arith.constant 0 : i32
        %dma_start3A_111 = arith.constant 0 : i32
        %dma_start3A_112 = tpu.memref_slice %arg2[%dma_start3A_110, %dma_start3A_111] : memref<10000x48xf32, #tpu.memory_space<hbm>> -> memref<10000x48xf32, #tpu.memory_space<hbm>>
        tpu.enqueue_indirect_dma source(%dma_start3A_112 : memref<10000x48xf32, #tpu.memory_space<hbm>>) target(%arg9 : memref<125x48xf32, #tpu.memory_space<vmem>>) offsets(%dma_start3A_109 : memref<125xi32, #tpu.memory_space<vmem>>) semaphore(%arg14 : memref<!tpu.dma_semaphore, #tpu.memory_space<semaphore_mem>>)
      } else {
      }
      %add3A_57 = arith.constant 1 : i32
      %add3A_58 = arith.addi %mul3A_44, %add3A_57 : i32
      %dma_wait3A_59 = arith.constant 0 : i32
      %dma_wait3A_60 = arith.constant 0 : i32
      %dma_wait3A_61 = tpu.memref_slice %arg7[%dma_wait3A_59, %dma_wait3A_60] : memref<80x125xi32, #tpu.memory_space<vmem>> -> memref<1x125xi32, #tpu.memory_space<vmem>>
      %dma_wait3A_62 = tpu.memref_squeeze %dma_wait3A_61 : memref<1x125xi32, #tpu.memory_space<vmem>> -> memref<125xi32, #tpu.memory_space<vmem>>
      %dma_wait3A_63 = arith.constant 0 : i32
      %dma_wait3A_64 = arith.constant 0 : i32
      %dma_wait3A_65 = tpu.memref_slice %arg2[%dma_wait3A_63, %dma_wait3A_64] : memref<10000x48xf32, #tpu.memory_space<hbm>> -> memref<10000x48xf32, #tpu.memory_space<hbm>>
      tpu.wait_indirect_dma semaphore(%arg15 : memref<!tpu.dma_semaphore, #tpu.memory_space<semaphore_mem>>) src(%dma_wait3A_65 : memref<10000x48xf32, #tpu.memory_space<hbm>>) dst(%arg10 : memref<125x48xf32, #tpu.memory_space<vmem>>)
      "tpu.region"() ({
        %run_scoped3A = tpu.sem_alloc : memref<!tpu.dma_semaphore, #tpu.memory_space<semaphore_mem>>
        %dma_start3A_105 = arith.constant 0 : i32
        %dma_start3A_106 = tpu.memref_slice %arg8[%add3A_58, %dma_start3A_105] : memref<80x125xi32, #tpu.memory_space<vmem>> -> memref<1x125xi32, #tpu.memory_space<vmem>>
        %dma_start3A_107 = tpu.memref_squeeze %dma_start3A_106 : memref<1x125xi32, #tpu.memory_space<vmem>> -> memref<125xi32, #tpu.memory_space<vmem>>
        %dma_start3A_108 = arith.constant 0 : i32
        %dma_start3A_109 = arith.constant 0 : i32
        %dma_start3A_110 = tpu.memref_slice %arg13[%dma_start3A_108, %dma_start3A_109] : memref<10240x48xf32, #tpu.memory_space<vmem_shared>> -> memref<10240x48xf32, #tpu.memory_space<vmem_shared>>
        tpu.enqueue_indirect_dma source(%arg10 : memref<125x48xf32, #tpu.memory_space<vmem>>) target(%dma_start3A_110 : memref<10240x48xf32, #tpu.memory_space<vmem_shared>>) offsets(%dma_start3A_107 : memref<125xi32, #tpu.memory_space<vmem>>) semaphore(%run_scoped3A : memref<!tpu.dma_semaphore, #tpu.memory_space<semaphore_mem>>) {add = true}
        %dma_wait3A_111 = arith.constant 0 : i32
        %dma_wait3A_112 = tpu.memref_slice %arg8[%add3A_58, %dma_wait3A_111] : memref<80x125xi32, #tpu.memory_space<vmem>> -> memref<1x125xi32, #tpu.memory_space<vmem>>
        %dma_wait3A_113 = tpu.memref_squeeze %dma_wait3A_112 : memref<1x125xi32, #tpu.memory_space<vmem>> -> memref<125xi32, #tpu.memory_space<vmem>>
        %dma_wait3A_114 = arith.constant 0 : i32
        %dma_wait3A_115 = arith.constant 0 : i32
        %dma_wait3A_116 = tpu.memref_slice %arg13[%dma_wait3A_114, %dma_wait3A_115] : memref<10240x48xf32, #tpu.memory_space<vmem_shared>> -> memref<10240x48xf32, #tpu.memory_space<vmem_shared>>
        tpu.wait_indirect_dma semaphore(%run_scoped3A : memref<!tpu.dma_semaphore, #tpu.memory_space<semaphore_mem>>) src(%arg10 : memref<125x48xf32, #tpu.memory_space<vmem>>) dst(%dma_wait3A_116 : memref<10240x48xf32, #tpu.memory_space<vmem_shared>>)
        tpu.yield
      }) : () -> ()
      %add3A_66 = arith.constant 4 : i32
      %add3A_67 = arith.addi %add3A_58, %add3A_66 : i32
      %lt3A_68 = arith.constant 80 : i32
      %lt3A_69 = arith.cmpi slt, %add3A_67, %lt3A_68 : i32
      %convert_element_type3A_70 = arith.extui %lt3A_69 : i1 to i32
      %cond3A_71 = arith.constant 0 : i32
      %cond3A_72 = arith.cmpi ne, %convert_element_type3A_70, %cond3A_71 : i32
      scf.if %cond3A_72 {
        %add3A_105 = arith.constant 4 : i32
        %add3A_106 = arith.addi %add3A_58, %add3A_105 : i32
        %dma_start3A_107 = arith.constant 0 : i32
        %dma_start3A_108 = tpu.memref_slice %arg7[%add3A_106, %dma_start3A_107] : memref<80x125xi32, #tpu.memory_space<vmem>> -> memref<1x125xi32, #tpu.memory_space<vmem>>
        %dma_start3A_109 = tpu.memref_squeeze %dma_start3A_108 : memref<1x125xi32, #tpu.memory_space<vmem>> -> memref<125xi32, #tpu.memory_space<vmem>>
        %dma_start3A_110 = arith.constant 0 : i32
        %dma_start3A_111 = arith.constant 0 : i32
        %dma_start3A_112 = tpu.memref_slice %arg2[%dma_start3A_110, %dma_start3A_111] : memref<10000x48xf32, #tpu.memory_space<hbm>> -> memref<10000x48xf32, #tpu.memory_space<hbm>>
        tpu.enqueue_indirect_dma source(%dma_start3A_112 : memref<10000x48xf32, #tpu.memory_space<hbm>>) target(%arg10 : memref<125x48xf32, #tpu.memory_space<vmem>>) offsets(%dma_start3A_109 : memref<125xi32, #tpu.memory_space<vmem>>) semaphore(%arg15 : memref<!tpu.dma_semaphore, #tpu.memory_space<semaphore_mem>>)
      } else {
      }
      %add3A_73 = arith.constant 2 : i32
      %add3A_74 = arith.addi %mul3A_44, %add3A_73 : i32
      %dma_wait3A_75 = arith.constant 0 : i32
      %dma_wait3A_76 = arith.constant 0 : i32
      %dma_wait3A_77 = tpu.memref_slice %arg7[%dma_wait3A_75, %dma_wait3A_76] : memref<80x125xi32, #tpu.memory_space<vmem>> -> memref<1x125xi32, #tpu.memory_space<vmem>>
      %dma_wait3A_78 = tpu.memref_squeeze %dma_wait3A_77 : memref<1x125xi32, #tpu.memory_space<vmem>> -> memref<125xi32, #tpu.memory_space<vmem>>
      %dma_wait3A_79 = arith.constant 0 : i32
      %dma_wait3A_80 = arith.constant 0 : i32
      %dma_wait3A_81 = tpu.memref_slice %arg2[%dma_wait3A_79, %dma_wait3A_80] : memref<10000x48xf32, #tpu.memory_space<hbm>> -> memref<10000x48xf32, #tpu.memory_space<hbm>>
      tpu.wait_indirect_dma semaphore(%arg16 : memref<!tpu.dma_semaphore, #tpu.memory_space<semaphore_mem>>) src(%dma_wait3A_81 : memref<10000x48xf32, #tpu.memory_space<hbm>>) dst(%arg11 : memref<125x48xf32, #tpu.memory_space<vmem>>)
      "tpu.region"() ({
        %run_scoped3A = tpu.sem_alloc : memref<!tpu.dma_semaphore, #tpu.memory_space<semaphore_mem>>
        %dma_start3A_105 = arith.constant 0 : i32
        %dma_start3A_106 = tpu.memref_slice %arg8[%add3A_74, %dma_start3A_105] : memref<80x125xi32, #tpu.memory_space<vmem>> -> memref<1x125xi32, #tpu.memory_space<vmem>>
        %dma_start3A_107 = tpu.memref_squeeze %dma_start3A_106 : memref<1x125xi32, #tpu.memory_space<vmem>> -> memref<125xi32, #tpu.memory_space<vmem>>
        %dma_start3A_108 = arith.constant 0 : i32
        %dma_start3A_109 = arith.constant 0 : i32
        %dma_start3A_110 = tpu.memref_slice %arg13[%dma_start3A_108, %dma_start3A_109] : memref<10240x48xf32, #tpu.memory_space<vmem_shared>> -> memref<10240x48xf32, #tpu.memory_space<vmem_shared>>
        tpu.enqueue_indirect_dma source(%arg11 : memref<125x48xf32, #tpu.memory_space<vmem>>) target(%dma_start3A_110 : memref<10240x48xf32, #tpu.memory_space<vmem_shared>>) offsets(%dma_start3A_107 : memref<125xi32, #tpu.memory_space<vmem>>) semaphore(%run_scoped3A : memref<!tpu.dma_semaphore, #tpu.memory_space<semaphore_mem>>) {add = true}
        %dma_wait3A_111 = arith.constant 0 : i32
        %dma_wait3A_112 = tpu.memref_slice %arg8[%add3A_74, %dma_wait3A_111] : memref<80x125xi32, #tpu.memory_space<vmem>> -> memref<1x125xi32, #tpu.memory_space<vmem>>
        %dma_wait3A_113 = tpu.memref_squeeze %dma_wait3A_112 : memref<1x125xi32, #tpu.memory_space<vmem>> -> memref<125xi32, #tpu.memory_space<vmem>>
        %dma_wait3A_114 = arith.constant 0 : i32
        %dma_wait3A_115 = arith.constant 0 : i32
        %dma_wait3A_116 = tpu.memref_slice %arg13[%dma_wait3A_114, %dma_wait3A_115] : memref<10240x48xf32, #tpu.memory_space<vmem_shared>> -> memref<10240x48xf32, #tpu.memory_space<vmem_shared>>
        tpu.wait_indirect_dma semaphore(%run_scoped3A : memref<!tpu.dma_semaphore, #tpu.memory_space<semaphore_mem>>) src(%arg11 : memref<125x48xf32, #tpu.memory_space<vmem>>) dst(%dma_wait3A_116 : memref<10240x48xf32, #tpu.memory_space<vmem_shared>>)
        tpu.yield
      }) : () -> ()
      %add3A_82 = arith.constant 4 : i32
      %add3A_83 = arith.addi %add3A_74, %add3A_82 : i32
      %lt3A_84 = arith.constant 80 : i32
      %lt3A_85 = arith.cmpi slt, %add3A_83, %lt3A_84 : i32
      %convert_element_type3A_86 = arith.extui %lt3A_85 : i1 to i32
      %cond3A_87 = arith.constant 0 : i32
      %cond3A_88 = arith.cmpi ne, %convert_element_type3A_86, %cond3A_87 : i32
      scf.if %cond3A_88 {
        %add3A_105 = arith.constant 4 : i32
        %add3A_106 = arith.addi %add3A_74, %add3A_105 : i32
        %dma_start3A_107 = arith.constant 0 : i32
        %dma_start3A_108 = tpu.memref_slice %arg7[%add3A_106, %dma_start3A_107] : memref<80x125xi32, #tpu.memory_space<vmem>> -> memref<1x125xi32, #tpu.memory_space<vmem>>
        %dma_start3A_109 = tpu.memref_squeeze %dma_start3A_108 : memref<1x125xi32, #tpu.memory_space<vmem>> -> memref<125xi32, #tpu.memory_space<vmem>>
        %dma_start3A_110 = arith.constant 0 : i32
        %dma_start3A_111 = arith.constant 0 : i32
        %dma_start3A_112 = tpu.memref_slice %arg2[%dma_start3A_110, %dma_start3A_111] : memref<10000x48xf32, #tpu.memory_space<hbm>> -> memref<10000x48xf32, #tpu.memory_space<hbm>>
        tpu.enqueue_indirect_dma source(%dma_start3A_112 : memref<10000x48xf32, #tpu.memory_space<hbm>>) target(%arg11 : memref<125x48xf32, #tpu.memory_space<vmem>>) offsets(%dma_start3A_109 : memref<125xi32, #tpu.memory_space<vmem>>) semaphore(%arg16 : memref<!tpu.dma_semaphore, #tpu.memory_space<semaphore_mem>>)
      } else {
      }
      %add3A_89 = arith.constant 3 : i32
      %add3A_90 = arith.addi %mul3A_44, %add3A_89 : i32
      %dma_wait3A_91 = arith.constant 0 : i32
      %dma_wait3A_92 = arith.constant 0 : i32
      %dma_wait3A_93 = tpu.memref_slice %arg7[%dma_wait3A_91, %dma_wait3A_92] : memref<80x125xi32, #tpu.memory_space<vmem>> -> memref<1x125xi32, #tpu.memory_space<vmem>>
      %dma_wait3A_94 = tpu.memref_squeeze %dma_wait3A_93 : memref<1x125xi32, #tpu.memory_space<vmem>> -> memref<125xi32, #tpu.memory_space<vmem>>
      %dma_wait3A_95 = arith.constant 0 : i32
      %dma_wait3A_96 = arith.constant 0 : i32
      %dma_wait3A_97 = tpu.memref_slice %arg2[%dma_wait3A_95, %dma_wait3A_96] : memref<10000x48xf32, #tpu.memory_space<hbm>> -> memref<10000x48xf32, #tpu.memory_space<hbm>>
      tpu.wait_indirect_dma semaphore(%arg17 : memref<!tpu.dma_semaphore, #tpu.memory_space<semaphore_mem>>) src(%dma_wait3A_97 : memref<10000x48xf32, #tpu.memory_space<hbm>>) dst(%arg12 : memref<125x48xf32, #tpu.memory_space<vmem>>)
      "tpu.region"() ({
        %run_scoped3A = tpu.sem_alloc : memref<!tpu.dma_semaphore, #tpu.memory_space<semaphore_mem>>
        %dma_start3A_105 = arith.constant 0 : i32
        %dma_start3A_106 = tpu.memref_slice %arg8[%add3A_90, %dma_start3A_105] : memref<80x125xi32, #tpu.memory_space<vmem>> -> memref<1x125xi32, #tpu.memory_space<vmem>>
        %dma_start3A_107 = tpu.memref_squeeze %dma_start3A_106 : memref<1x125xi32, #tpu.memory_space<vmem>> -> memref<125xi32, #tpu.memory_space<vmem>>
        %dma_start3A_108 = arith.constant 0 : i32
        %dma_start3A_109 = arith.constant 0 : i32
        %dma_start3A_110 = tpu.memref_slice %arg13[%dma_start3A_108, %dma_start3A_109] : memref<10240x48xf32, #tpu.memory_space<vmem_shared>> -> memref<10240x48xf32, #tpu.memory_space<vmem_shared>>
        tpu.enqueue_indirect_dma source(%arg12 : memref<125x48xf32, #tpu.memory_space<vmem>>) target(%dma_start3A_110 : memref<10240x48xf32, #tpu.memory_space<vmem_shared>>) offsets(%dma_start3A_107 : memref<125xi32, #tpu.memory_space<vmem>>) semaphore(%run_scoped3A : memref<!tpu.dma_semaphore, #tpu.memory_space<semaphore_mem>>) {add = true}
        %dma_wait3A_111 = arith.constant 0 : i32
        %dma_wait3A_112 = tpu.memref_slice %arg8[%add3A_90, %dma_wait3A_111] : memref<80x125xi32, #tpu.memory_space<vmem>> -> memref<1x125xi32, #tpu.memory_space<vmem>>
        %dma_wait3A_113 = tpu.memref_squeeze %dma_wait3A_112 : memref<1x125xi32, #tpu.memory_space<vmem>> -> memref<125xi32, #tpu.memory_space<vmem>>
        %dma_wait3A_114 = arith.constant 0 : i32
        %dma_wait3A_115 = arith.constant 0 : i32
        %dma_wait3A_116 = tpu.memref_slice %arg13[%dma_wait3A_114, %dma_wait3A_115] : memref<10240x48xf32, #tpu.memory_space<vmem_shared>> -> memref<10240x48xf32, #tpu.memory_space<vmem_shared>>
        tpu.wait_indirect_dma semaphore(%run_scoped3A : memref<!tpu.dma_semaphore, #tpu.memory_space<semaphore_mem>>) src(%arg12 : memref<125x48xf32, #tpu.memory_space<vmem>>) dst(%dma_wait3A_116 : memref<10240x48xf32, #tpu.memory_space<vmem_shared>>)
        tpu.yield
      }) : () -> ()
      %add3A_98 = arith.constant 4 : i32
      %add3A_99 = arith.addi %add3A_90, %add3A_98 : i32
      %lt3A_100 = arith.constant 80 : i32
      %lt3A_101 = arith.cmpi slt, %add3A_99, %lt3A_100 : i32
      %convert_element_type3A_102 = arith.extui %lt3A_101 : i1 to i32
      %cond3A_103 = arith.constant 0 : i32
      %cond3A_104 = arith.cmpi ne, %convert_element_type3A_102, %cond3A_103 : i32
      scf.if %cond3A_104 {
        %add3A_105 = arith.constant 4 : i32
        %add3A_106 = arith.addi %add3A_90, %add3A_105 : i32
        %dma_start3A_107 = arith.constant 0 : i32
        %dma_start3A_108 = tpu.memref_slice %arg7[%add3A_106, %dma_start3A_107] : memref<80x125xi32, #tpu.memory_space<vmem>> -> memref<1x125xi32, #tpu.memory_space<vmem>>
        %dma_start3A_109 = tpu.memref_squeeze %dma_start3A_108 : memref<1x125xi32, #tpu.memory_space<vmem>> -> memref<125xi32, #tpu.memory_space<vmem>>
        %dma_start3A_110 = arith.constant 0 : i32
        %dma_start3A_111 = arith.constant 0 : i32
        %dma_start3A_112 = tpu.memref_slice %arg2[%dma_start3A_110, %dma_start3A_111] : memref<10000x48xf32, #tpu.memory_space<hbm>> -> memref<10000x48xf32, #tpu.memory_space<hbm>>
        tpu.enqueue_indirect_dma source(%dma_start3A_112 : memref<10000x48xf32, #tpu.memory_space<hbm>>) target(%arg12 : memref<125x48xf32, #tpu.memory_space<vmem>>) offsets(%dma_start3A_109 : memref<125xi32, #tpu.memory_space<vmem>>) semaphore(%arg17 : memref<!tpu.dma_semaphore, #tpu.memory_space<semaphore_mem>>)
      } else {
      }
    }
    %scan3A_36 = arith.constant 20 : i32
    %barrier3A_37 = arith.constant 0 : index
    tpu.barrier barrier_id(%barrier3A_37)
    %mul3A_38 = arith.constant 640 : i32
    %mul3A_39 = arith.muli %arg1, %mul3A_38 : i32
    %mul3A_40 = arith.constant 640 : i32
    %mul3A_41 = arith.muli %arg1, %mul3A_40 : i32
    "tpu.region"() ({
      %run_scoped3A = tpu.sem_alloc : memref<!tpu.dma_semaphore, #tpu.memory_space<semaphore_mem>>
      %dma_start3A_42 = arith.constant 0 : i32
      %dma_start3A_43 = tpu.memref_slice %arg6[%arg0, %mul3A_41, %dma_start3A_42] : memref<2x10240x48xf32, #tpu.memory_space<hbm>> -> memref<1x640x48xf32, #tpu.memory_space<hbm>>
      %dma_start3A_44 = tpu.memref_squeeze %dma_start3A_43 : memref<1x640x48xf32, #tpu.memory_space<hbm>> -> memref<640x48xf32, #tpu.memory_space<hbm>>
      %dma_start3A_45 = arith.constant 0 : i32
      %dma_start3A_46 = tpu.memref_slice %arg13[%mul3A_39, %dma_start3A_45] : memref<10240x48xf32, #tpu.memory_space<vmem_shared>> -> memref<640x48xf32, #tpu.memory_space<vmem_shared>>
      tpu.enqueue_dma source(%dma_start3A_46 : memref<640x48xf32, #tpu.memory_space<vmem_shared>>) target(%dma_start3A_44 : memref<640x48xf32, #tpu.memory_space<hbm>>) target_semaphore(%run_scoped3A : memref<!tpu.dma_semaphore, #tpu.memory_space<semaphore_mem>>)
      %dma_wait3A = arith.constant 0 : i32
      %dma_wait3A_47 = tpu.memref_slice %arg6[%arg0, %mul3A_41, %dma_wait3A] : memref<2x10240x48xf32, #tpu.memory_space<hbm>> -> memref<1x640x48xf32, #tpu.memory_space<hbm>>
      %dma_wait3A_48 = tpu.memref_squeeze %dma_wait3A_47 : memref<1x640x48xf32, #tpu.memory_space<hbm>> -> memref<640x48xf32, #tpu.memory_space<hbm>>
      %dma_wait3A_49 = arith.constant 0 : i32
      %dma_wait3A_50 = tpu.memref_slice %arg13[%mul3A_39, %dma_wait3A_49] : memref<10240x48xf32, #tpu.memory_space<vmem_shared>> -> memref<640x48xf32, #tpu.memory_space<vmem_shared>>
      tpu.wait_dma2 semaphore(%run_scoped3A : memref<!tpu.dma_semaphore, #tpu.memory_space<semaphore_mem>>) src(%dma_wait3A_50 : memref<640x48xf32, #tpu.memory_space<vmem_shared>>) dst(%dma_wait3A_48 : memref<640x48xf32, #tpu.memory_space<hbm>>)
      tpu.yield
    }) : () -> ()
    return
  }
}

module attributes {stable_mosaic.version = 14 : i64} {
  func.func @body(%arg0: memref<10000x128xf32, #tpu.memory_space<vmem>>, %arg1: memref<10000x128xf32, #tpu.memory_space<vmem>>) attributes {dimension_semantics = [], scalar_prefetch = 0 : i64, scratch_operands = 0 : i64, tpu.core_type = #tpu.core_type<tc>} {
    %get3A = arith.constant 0 : index
    %get3A_0 = arith.constant 0 : index
    %get3A_1 = vector.load %arg0[%get3A, %get3A_0] : memref<10000x128xf32, #tpu.memory_space<vmem>>, vector<10000x128xf32>
    %max3A = arith.constant 0.000000e+00 : f32
    %max3A_2 = vector.broadcast %max3A : f32 to vector<10000x128xf32>
    %max3A_3 = arith.maximumf %get3A_1, %max3A_2 : vector<10000x128xf32>
    %swap3A = arith.constant 0 : index
    %swap3A_4 = arith.constant 0 : index
    %swap3A_5 = vector.load %arg1[%swap3A, %swap3A_4] : memref<10000x128xf32, #tpu.memory_space<vmem>>, vector<10000x128xf32>
    tpu.vector_store %arg1[%swap3A, %swap3A_4], %max3A_3 {strides = array<i32>} : memref<10000x128xf32, #tpu.memory_space<vmem>>, vector<10000x128xf32>,
    return
  }
}

module attributes {stable_mosaic.version = 14 : i64} {
  func.func @body(%arg0: memref<10000x128xf32, #tpu.memory_space<vmem>>, %arg1: memref<2x10240x128xf32, #tpu.memory_space<vmem>>, %arg2: memref<128x48xf32, #tpu.memory_space<vmem>>, %arg3: memref<1x48xf32, #tpu.memory_space<vmem>>, %arg4: memref<48x48xf32, #tpu.memory_space<vmem>>, %arg5: memref<1x48xf32, #tpu.memory_space<vmem>>, %arg6: memref<1x48xf32, #tpu.memory_space<vmem>>, %arg7: memref<1x48xf32, #tpu.memory_space<vmem>>, %arg8: memref<10000x48xf32, #tpu.memory_space<vmem>>, %arg9: memref<10000x48xf32, #tpu.memory_space<vmem>>) attributes {dimension_semantics = [], scalar_prefetch = 0 : i64, scratch_operands = 0 : i64, tpu.core_type = #tpu.core_type<tc>} {
    %get3A = arith.constant 0 : index
    %get3A_0 = arith.constant 0 : index
    %get3A_1 = arith.constant 0 : index
    %get3A_2 = vector.load %arg1[%get3A, %get3A_0, %get3A_1] : memref<2x10240x128xf32, #tpu.memory_space<vmem>>, vector<1x10000x128xf32>
    %get3A_3 = vector.shape_cast %get3A_2 : vector<1x10000x128xf32> to vector<10000x128xf32>
    %get3A_4 = arith.constant 1 : index
    %get3A_5 = arith.constant 0 : index
    %get3A_6 = arith.constant 0 : index
    %get3A_7 = vector.load %arg1[%get3A_4, %get3A_5, %get3A_6] : memref<2x10240x128xf32, #tpu.memory_space<vmem>>, vector<1x10000x128xf32>
    %get3A_8 = vector.shape_cast %get3A_7 : vector<1x10000x128xf32> to vector<10000x128xf32>
    %add3A = arith.addf %get3A_3, %get3A_8 : vector<10000x128xf32>
    %get3A_9 = arith.constant 0 : index
    %get3A_10 = arith.constant 0 : index
    %get3A_11 = vector.load %arg0[%get3A_9, %get3A_10] : memref<10000x128xf32, #tpu.memory_space<vmem>>, vector<10000x128xf32>
    %add3A_12 = arith.addf %get3A_11, %add3A : vector<10000x128xf32>
    %get3A_13 = arith.constant 0 : index
    %get3A_14 = arith.constant 0 : index
    %get3A_15 = vector.load %arg2[%get3A_13, %get3A_14] : memref<128x48xf32, #tpu.memory_space<vmem>>, vector<128x48xf32>
    %dot_general3A = arith.constant dense<0.000000e+00> : vector<10000x48xf32>
    %dot_general3A_16 = tpu.matmul %add3A_12, %get3A_15, %dot_general3A {dimension_numbers = #tpu.dot_dimension_numbers<[1], [0], [0], [1], [0, 0, 1, 1], [], []>, transpose_lhs_hint = false} : vector<10000x128xf32>, vector<128x48xf32>, vector<10000x48xf32> -> vector<10000x48xf32>
    %get3A_17 = arith.constant 0 : index
    %get3A_18 = arith.constant 0 : index
    %get3A_19 = vector.load %arg3[%get3A_17, %get3A_18] : memref<1x48xf32, #tpu.memory_space<vmem>>, vector<1x48xf32>
    %add3A_20 = vector.broadcast %get3A_19 : vector<1x48xf32> to vector<10000x48xf32>
    %add3A_21 = arith.addf %dot_general3A_16, %add3A_20 : vector<10000x48xf32>
    %max3A = arith.constant 0.000000e+00 : f32
    %max3A_22 = vector.broadcast %max3A : f32 to vector<10000x48xf32>
    %max3A_23 = arith.maximumf %add3A_21, %max3A_22 : vector<10000x48xf32>
    %get3A_24 = arith.constant 0 : index
    %get3A_25 = arith.constant 0 : index
    %get3A_26 = vector.load %arg4[%get3A_24, %get3A_25] : memref<48x48xf32, #tpu.memory_space<vmem>>, vector<48x48xf32>
    %dot_general3A_27 = arith.constant dense<0.000000e+00> : vector<10000x48xf32>
    %dot_general3A_28 = tpu.matmul %max3A_23, %get3A_26, %dot_general3A_27 {dimension_numbers = #tpu.dot_dimension_numbers<[1], [0], [0], [1], [0, 0, 1, 1], [], []>, transpose_lhs_hint = false} : vector<10000x48xf32>, vector<48x48xf32>, vector<10000x48xf32> -> vector<10000x48xf32>
    %get3A_29 = arith.constant 0 : index
    %get3A_30 = arith.constant 0 : index
    %get3A_31 = vector.load %arg5[%get3A_29, %get3A_30] : memref<1x48xf32, #tpu.memory_space<vmem>>, vector<1x48xf32>
    %add3A_32 = vector.broadcast %get3A_31 : vector<1x48xf32> to vector<10000x48xf32>
    %add3A_33 = arith.addf %dot_general3A_28, %add3A_32 : vector<10000x48xf32>
    %max3A_34 = arith.constant 0.000000e+00 : f32
    %max3A_35 = vector.broadcast %max3A_34 : f32 to vector<10000x48xf32>
    %max3A_36 = arith.maximumf %add3A_33, %max3A_35 : vector<10000x48xf32>
    %reduce_sum3A = arith.constant dense<0.000000e+00> : vector<48xf32>
    %reduce_sum3A_37 = vector.multi_reduction <add>, %max3A_36, %reduce_sum3A [0] : vector<10000x48xf32> to vector<48xf32>
    %broadcast_in_dim3A = vector.shape_cast %reduce_sum3A_37 : vector<48xf32> to vector<1x48xf32>
    %div3A = arith.constant 1.000000e+04 : f32
    %div3A_38 = vector.broadcast %div3A : f32 to vector<1x48xf32>
    %div3A_39 = arith.divf %broadcast_in_dim3A, %div3A_38 : vector<1x48xf32>
    %sub3A = vector.broadcast %div3A_39 : vector<1x48xf32> to vector<10000x48xf32>
    %sub3A_40 = arith.subf %max3A_36, %sub3A : vector<10000x48xf32>
    %integer_pow3A = arith.mulf %sub3A_40, %sub3A_40 : vector<10000x48xf32>
    %reduce_sum3A_41 = arith.constant dense<0.000000e+00> : vector<48xf32>
    %reduce_sum3A_42 = vector.multi_reduction <add>, %integer_pow3A, %reduce_sum3A_41 [0] : vector<10000x48xf32> to vector<48xf32>
    %broadcast_in_dim3A_43 = vector.shape_cast %reduce_sum3A_42 : vector<48xf32> to vector<1x48xf32>
    %div3A_44 = arith.constant 1.000000e+04 : f32
    %div3A_45 = vector.broadcast %div3A_44 : f32 to vector<1x48xf32>
    %div3A_46 = arith.divf %broadcast_in_dim3A_43, %div3A_45 : vector<1x48xf32>
    %sub3A_47 = vector.broadcast %div3A_39 : vector<1x48xf32> to vector<10000x48xf32>
    %sub3A_48 = arith.subf %max3A_36, %sub3A_47 : vector<10000x48xf32>
    %add3A_49 = arith.constant 9.99999974E-6 : f32
    %add3A_50 = vector.broadcast %add3A_49 : f32 to vector<1x48xf32>
    %add3A_51 = arith.addf %div3A_46, %add3A_50 : vector<1x48xf32>
    %sqrt3A = math.sqrt %add3A_51 : vector<1x48xf32>
    %div3A_52 = vector.broadcast %sqrt3A : vector<1x48xf32> to vector<10000x48xf32>
    %div3A_53 = arith.divf %sub3A_48, %div3A_52 : vector<10000x48xf32>
    %get3A_54 = arith.constant 0 : index
    %get3A_55 = arith.constant 0 : index
    %get3A_56 = vector.load %arg6[%get3A_54, %get3A_55] : memref<1x48xf32, #tpu.memory_space<vmem>>, vector<1x48xf32>
    %mul3A = vector.broadcast %get3A_56 : vector<1x48xf32> to vector<10000x48xf32>
    %mul3A_57 = arith.mulf %div3A_53, %mul3A : vector<10000x48xf32>
    %get3A_58 = arith.constant 0 : index
    %get3A_59 = arith.constant 0 : index
    %get3A_60 = vector.load %arg7[%get3A_58, %get3A_59] : memref<1x48xf32, #tpu.memory_space<vmem>>, vector<1x48xf32>
    %add3A_61 = vector.broadcast %get3A_60 : vector<1x48xf32> to vector<10000x48xf32>
    %add3A_62 = arith.addf %mul3A_57, %add3A_61 : vector<10000x48xf32>
    %swap3A = arith.constant 0 : index
    %swap3A_63 = arith.constant 0 : index
    %swap3A_64 = vector.load %arg8[%swap3A, %swap3A_63] : memref<10000x48xf32, #tpu.memory_space<vmem>>, vector<10000x48xf32>
    tpu.vector_store %arg8[%swap3A, %swap3A_63], %add3A_62 {strides = array<i32>} : memref<10000x48xf32, #tpu.memory_space<vmem>>, vector<10000x48xf32>,
    %max3A_65 = arith.constant 0.000000e+00 : f32
    %max3A_66 = vector.broadcast %max3A_65 : f32 to vector<10000x48xf32>
    %max3A_67 = arith.maximumf %add3A_62, %max3A_66 : vector<10000x48xf32>
    %swap3A_68 = arith.constant 0 : index
    %swap3A_69 = arith.constant 0 : index
    %swap3A_70 = vector.load %arg9[%swap3A_68, %swap3A_69] : memref<10000x48xf32, #tpu.memory_space<vmem>>, vector<10000x48xf32>
    tpu.vector_store %arg9[%swap3A_68, %swap3A_69], %max3A_67 {strides = array<i32>} : memref<10000x48xf32, #tpu.memory_space<vmem>>, vector<10000x48xf32>,
    return
  }
}

module attributes {stable_mosaic.version = 14 : i64} {
  func.func @body(%arg0: memref<10000x48xf32, #tpu.memory_space<vmem>>, %arg1: memref<2x10240x48xf32, #tpu.memory_space<vmem>>, %arg2: memref<48x48xf32, #tpu.memory_space<vmem>>, %arg3: memref<1x48xf32, #tpu.memory_space<vmem>>, %arg4: memref<48x48xf32, #tpu.memory_space<vmem>>, %arg5: memref<1x48xf32, #tpu.memory_space<vmem>>, %arg6: memref<1x48xf32, #tpu.memory_space<vmem>>, %arg7: memref<1x48xf32, #tpu.memory_space<vmem>>, %arg8: memref<48x48xf32, #tpu.memory_space<vmem>>, %arg9: memref<1x48xf32, #tpu.memory_space<vmem>>, %arg10: memref<48x40xf32, #tpu.memory_space<vmem>>, %arg11: memref<1x40xf32, #tpu.memory_space<vmem>>, %arg12: memref<10000x40xf32, #tpu.memory_space<vmem>>) attributes {dimension_semantics = [], scalar_prefetch = 0 : i64, scratch_operands = 0 : i64, tpu.core_type = #tpu.core_type<tc>} {
    %get3A = arith.constant 0 : index
    %get3A_0 = arith.constant 0 : index
    %get3A_1 = arith.constant 0 : index
    %get3A_2 = vector.load %arg1[%get3A, %get3A_0, %get3A_1] : memref<2x10240x48xf32, #tpu.memory_space<vmem>>, vector<1x10000x48xf32>
    %get3A_3 = vector.shape_cast %get3A_2 : vector<1x10000x48xf32> to vector<10000x48xf32>
    %get3A_4 = arith.constant 1 : index
    %get3A_5 = arith.constant 0 : index
    %get3A_6 = arith.constant 0 : index
    %get3A_7 = vector.load %arg1[%get3A_4, %get3A_5, %get3A_6] : memref<2x10240x48xf32, #tpu.memory_space<vmem>>, vector<1x10000x48xf32>
    %get3A_8 = vector.shape_cast %get3A_7 : vector<1x10000x48xf32> to vector<10000x48xf32>
    %add3A = arith.addf %get3A_3, %get3A_8 : vector<10000x48xf32>
    %get3A_9 = arith.constant 0 : index
    %get3A_10 = arith.constant 0 : index
    %get3A_11 = vector.load %arg0[%get3A_9, %get3A_10] : memref<10000x48xf32, #tpu.memory_space<vmem>>, vector<10000x48xf32>
    %add3A_12 = arith.addf %get3A_11, %add3A : vector<10000x48xf32>
    %get3A_13 = arith.constant 0 : index
    %get3A_14 = arith.constant 0 : index
    %get3A_15 = vector.load %arg2[%get3A_13, %get3A_14] : memref<48x48xf32, #tpu.memory_space<vmem>>, vector<48x48xf32>
    %dot_general3A = arith.constant dense<0.000000e+00> : vector<10000x48xf32>
    %dot_general3A_16 = tpu.matmul %add3A_12, %get3A_15, %dot_general3A {dimension_numbers = #tpu.dot_dimension_numbers<[1], [0], [0], [1], [0, 0, 1, 1], [], []>, transpose_lhs_hint = false} : vector<10000x48xf32>, vector<48x48xf32>, vector<10000x48xf32> -> vector<10000x48xf32>
    %get3A_17 = arith.constant 0 : index
    %get3A_18 = arith.constant 0 : index
    %get3A_19 = vector.load %arg3[%get3A_17, %get3A_18] : memref<1x48xf32, #tpu.memory_space<vmem>>, vector<1x48xf32>
    %add3A_20 = vector.broadcast %get3A_19 : vector<1x48xf32> to vector<10000x48xf32>
    %add3A_21 = arith.addf %dot_general3A_16, %add3A_20 : vector<10000x48xf32>
    %max3A = arith.constant 0.000000e+00 : f32
    %max3A_22 = vector.broadcast %max3A : f32 to vector<10000x48xf32>
    %max3A_23 = arith.maximumf %add3A_21, %max3A_22 : vector<10000x48xf32>
    %get3A_24 = arith.constant 0 : index
    %get3A_25 = arith.constant 0 : index
    %get3A_26 = vector.load %arg4[%get3A_24, %get3A_25] : memref<48x48xf32, #tpu.memory_space<vmem>>, vector<48x48xf32>
    %dot_general3A_27 = arith.constant dense<0.000000e+00> : vector<10000x48xf32>
    %dot_general3A_28 = tpu.matmul %max3A_23, %get3A_26, %dot_general3A_27 {dimension_numbers = #tpu.dot_dimension_numbers<[1], [0], [0], [1], [0, 0, 1, 1], [], []>, transpose_lhs_hint = false} : vector<10000x48xf32>, vector<48x48xf32>, vector<10000x48xf32> -> vector<10000x48xf32>
    %get3A_29 = arith.constant 0 : index
    %get3A_30 = arith.constant 0 : index
    %get3A_31 = vector.load %arg5[%get3A_29, %get3A_30] : memref<1x48xf32, #tpu.memory_space<vmem>>, vector<1x48xf32>
    %add3A_32 = vector.broadcast %get3A_31 : vector<1x48xf32> to vector<10000x48xf32>
    %add3A_33 = arith.addf %dot_general3A_28, %add3A_32 : vector<10000x48xf32>
    %max3A_34 = arith.constant 0.000000e+00 : f32
    %max3A_35 = vector.broadcast %max3A_34 : f32 to vector<10000x48xf32>
    %max3A_36 = arith.maximumf %add3A_33, %max3A_35 : vector<10000x48xf32>
    %reduce_sum3A = arith.constant dense<0.000000e+00> : vector<48xf32>
    %reduce_sum3A_37 = vector.multi_reduction <add>, %max3A_36, %reduce_sum3A [0] : vector<10000x48xf32> to vector<48xf32>
    %broadcast_in_dim3A = vector.shape_cast %reduce_sum3A_37 : vector<48xf32> to vector<1x48xf32>
    %div3A = arith.constant 1.000000e+04 : f32
    %div3A_38 = vector.broadcast %div3A : f32 to vector<1x48xf32>
    %div3A_39 = arith.divf %broadcast_in_dim3A, %div3A_38 : vector<1x48xf32>
    %sub3A = vector.broadcast %div3A_39 : vector<1x48xf32> to vector<10000x48xf32>
    %sub3A_40 = arith.subf %max3A_36, %sub3A : vector<10000x48xf32>
    %integer_pow3A = arith.mulf %sub3A_40, %sub3A_40 : vector<10000x48xf32>
    %reduce_sum3A_41 = arith.constant dense<0.000000e+00> : vector<48xf32>
    %reduce_sum3A_42 = vector.multi_reduction <add>, %integer_pow3A, %reduce_sum3A_41 [0] : vector<10000x48xf32> to vector<48xf32>
    %broadcast_in_dim3A_43 = vector.shape_cast %reduce_sum3A_42 : vector<48xf32> to vector<1x48xf32>
    %div3A_44 = arith.constant 1.000000e+04 : f32
    %div3A_45 = vector.broadcast %div3A_44 : f32 to vector<1x48xf32>
    %div3A_46 = arith.divf %broadcast_in_dim3A_43, %div3A_45 : vector<1x48xf32>
    %sub3A_47 = vector.broadcast %div3A_39 : vector<1x48xf32> to vector<10000x48xf32>
    %sub3A_48 = arith.subf %max3A_36, %sub3A_47 : vector<10000x48xf32>
    %add3A_49 = arith.constant 9.99999974E-6 : f32
    %add3A_50 = vector.broadcast %add3A_49 : f32 to vector<1x48xf32>
    %add3A_51 = arith.addf %div3A_46, %add3A_50 : vector<1x48xf32>
    %sqrt3A = math.sqrt %add3A_51 : vector<1x48xf32>
    %div3A_52 = vector.broadcast %sqrt3A : vector<1x48xf32> to vector<10000x48xf32>
    %div3A_53 = arith.divf %sub3A_48, %div3A_52 : vector<10000x48xf32>
    %get3A_54 = arith.constant 0 : index
    %get3A_55 = arith.constant 0 : index
    %get3A_56 = vector.load %arg6[%get3A_54, %get3A_55] : memref<1x48xf32, #tpu.memory_space<vmem>>, vector<1x48xf32>
    %mul3A = vector.broadcast %get3A_56 : vector<1x48xf32> to vector<10000x48xf32>
    %mul3A_57 = arith.mulf %div3A_53, %mul3A : vector<10000x48xf32>
    %get3A_58 = arith.constant 0 : index
    %get3A_59 = arith.constant 0 : index
    %get3A_60 = vector.load %arg7[%get3A_58, %get3A_59] : memref<1x48xf32, #tpu.memory_space<vmem>>, vector<1x48xf32>
    %add3A_61 = vector.broadcast %get3A_60 : vector<1x48xf32> to vector<10000x48xf32>
    %add3A_62 = arith.addf %mul3A_57, %add3A_61 : vector<10000x48xf32>
    %get3A_63 = arith.constant 0 : index
    %get3A_64 = arith.constant 0 : index
    %get3A_65 = vector.load %arg8[%get3A_63, %get3A_64] : memref<48x48xf32, #tpu.memory_space<vmem>>, vector<48x48xf32>
    %dot_general3A_66 = arith.constant dense<0.000000e+00> : vector<10000x48xf32>
    %dot_general3A_67 = tpu.matmul %add3A_62, %get3A_65, %dot_general3A_66 {dimension_numbers = #tpu.dot_dimension_numbers<[1], [0], [0], [1], [0, 0, 1, 1], [], []>, transpose_lhs_hint = false} : vector<10000x48xf32>, vector<48x48xf32>, vector<10000x48xf32> -> vector<10000x48xf32>
    %get3A_68 = arith.constant 0 : index
    %get3A_69 = arith.constant 0 : index
    %get3A_70 = vector.load %arg9[%get3A_68, %get3A_69] : memref<1x48xf32, #tpu.memory_space<vmem>>, vector<1x48xf32>
    %add3A_71 = vector.broadcast %get3A_70 : vector<1x48xf32> to vector<10000x48xf32>
    %add3A_72 = arith.addf %dot_general3A_67, %add3A_71 : vector<10000x48xf32>
    %max3A_73 = arith.constant 0.000000e+00 : f32
    %max3A_74 = vector.broadcast %max3A_73 : f32 to vector<10000x48xf32>
    %max3A_75 = arith.maximumf %add3A_72, %max3A_74 : vector<10000x48xf32>
    %get3A_76 = arith.constant 0 : index
    %get3A_77 = arith.constant 0 : index
    %get3A_78 = vector.load %arg10[%get3A_76, %get3A_77] : memref<48x40xf32, #tpu.memory_space<vmem>>, vector<48x40xf32>
    %dot_general3A_79 = arith.constant dense<0.000000e+00> : vector<10000x40xf32>
    %dot_general3A_80 = tpu.matmul %max3A_75, %get3A_78, %dot_general3A_79 {dimension_numbers = #tpu.dot_dimension_numbers<[1], [0], [0], [1], [0, 0, 1, 1], [], []>, transpose_lhs_hint = false} : vector<10000x48xf32>, vector<48x40xf32>, vector<10000x40xf32> -> vector<10000x40xf32>
    %get3A_81 = arith.constant 0 : index
    %get3A_82 = arith.constant 0 : index
    %get3A_83 = vector.load %arg11[%get3A_81, %get3A_82] : memref<1x40xf32, #tpu.memory_space<vmem>>, vector<1x40xf32>
    %add3A_84 = vector.broadcast %get3A_83 : vector<1x40xf32> to vector<10000x40xf32>
    %add3A_85 = arith.addf %dot_general3A_80, %add3A_84 : vector<10000x40xf32>
    %swap3A = arith.constant 0 : index
    %swap3A_86 = arith.constant 0 : index
    %swap3A_87 = vector.load %arg12[%swap3A, %swap3A_86] : memref<10000x40xf32, #tpu.memory_space<vmem>>, vector<10000x40xf32>
    tpu.vector_store %arg12[%swap3A, %swap3A_86], %add3A_85 {strides = array<i32>} : memref<10000x40xf32, #tpu.memory_space<vmem>>, vector<10000x40xf32>,
    return
  }
}

</mosaic_0001>

<sc_bundles>
// kernel: kernel.10.cloned.1.call-start
scs
__scs_entry_jumppad:
0x0: {  	(pc) =	sbr.rel $0x88, $3  }
0x1: {  	(tag) =	ssettag $0x0;
	lr =	simm.s32 $0x1  }
0x2: {  	[smem:$0x3F8F] =	sst lr;
	_ =	strace $0xD0000000  }
0x3: {  	_ = 	snop  }
0x4: {  	_ = 	snop  }
0x5: {  	_ = 	snop  }
0x6: {  	_ = 	snop  }
0x7: {  	_ = 	snop  }
__scs_overlays_trampoline_lowered:
0x8: {  	[smem:$0x3F9E] =	sst s0  }
0x9: {  	[smem:$0x3F9F] =	sst s1  }
0xa: {  	[smem:$0x3FA0] =	sst s2  }
0xb: {  	[smem:$0x3FA1] =	sst s3  }
0xc: {  	[smem:$0x3FA2] =	sst s4  }
0xd: {  	[smem:$0x3FA3] =	sst s5  }
0xe: {  	[smem:$0x3FA4] =	sst s6  }
0xf: {  	[smem:$0x3FA5] =	sst s7  }
0x10: {  	[smem:$0x3FA6] =	sst s8  }
0x11: {  	[smem:$0x3FA7] =	sst s9;
	s0 =	simm.s32 @!p0 $0x0  }
0x12: {  	s1 =	sld [smem:$0x3F8D];
	s0 =	simm.s32 @p0 $0x1  }
0x13: {  	[smem:$0x3FA8] =	sst s0;
	s0 =	simm.s32 @!p1 $0x0  }
0x14: {  	s2 =	sld [smem:$0x3F8C];
	s0 =	simm.s32 @p1 $0x1  }
0x15: {  	[smem:$0x3FA9] =	sst s0;
	s0 =	simm.s32 @!p2 $0x0  }
0x16: {  	s3 =	sld [smem:$0x3FDB];
	s0 =	simm.s32 @p2 $0x1  }
0x17: {  	s4 =	simm.s32 $0x1BF5;
	[smem:$0x3FAB] =	sst s0  }
0x18: {  	s0 =	sld [smem:$0x3F8E];
	_ =	swait.ge [sflag:s4], $0x0  }
0x19: {  	s7 =	sld [smem:$0x3F8F]  }
0x1a: {  	s8 =	sadd.s32 $0xFFFFE003, lr  }
0x1b: {  	s9 =	sadd.s32 $0xFFFFFEF7, lr;
	s5 =	simm.s32 $0xFFFFFFFF;
	p2 =	slt.u32 s8, $0xFFFFF086  }
0x1c: {  	p1 =	slt.u32 s9, $0xF7A;
	s5 =	simm.s32 @!p2 $0x0  }
0x1d: {  	s5 =	simm.s32 @p1 $0x1;
	p0 =	seq.s32 s7, s2  }
0x1e: {  	s7 =	smul.u32 @!p0 $0xF7A, s2;
	p2 =	seq.s32 @!p0 s5, $0x0  }
0x1f: {  	s9 =	smul.u32 $0xF7A, s1;
	s8 =	simm.s32 @!p0 $0x1BF5;
	p2 =	por !p2, p0  }
0x20: {  	[sflag:s8] =	ssyncset.s32 @!p0 $0xFFFFF086;
	s6 =	sadd.s32 @!p0 s3, s7;
	s7 =	simm.s32 @!p0 $0x108  }
0x21: {  	s3 =	sadd.s32 s3, s9;
	s6 =	sadd.s32 @!p0 $0x88, s6;
	s7 =	simm.s32 @p2 $0x1082  }
0x22: {  	[simem:s7], [sflag:s8] =	dma.local @!p0 [hbm:s6], $0xF7A  }
0x23: {  	s9 =	sor.u32 $0xD0000000, s2;
	s6 =	simm.s32 $0x108;
	_ =	swait.ge @!p0 [sflag:s8], $0x0  }
0x24: {  	s3 =	sadd.s32 $0x88, s3;
	s6 =	simm.s32 @!p1 $0x1082;
	[sflag:s4] =	ssyncset.s32 $0xFFFFF086  }
0x25: {  	[simem:s6], [sflag:s4] =	dma.local [hbm:s3], $0xF7A  }
0x26: {  	[smem:$0x3F8F] =	sst s1;
	(tag) =	ssettag s2;
	_ =	strace s9  }
0x27: {  	s1 =	sld [smem:$0x3F9F]  }
0x28: {  	s2 =	sld [smem:$0x3FA0]  }
0x29: {  	s4 =	sld [smem:$0x3FA2]  }
0x2a: {  	p0 =	seq.s32 s5, $0x0;
	s5 =	sld [smem:$0x3FA3]  }
0x2b: {  	s6 =	sld [smem:$0x3FA4]  }
0x2c: {  	s7 =	sld [smem:$0x3FA5]  }
0x2d: {  	s3 =	simm.s32 $0x108;
	s8 =	sld [smem:$0x3FA6]  }
0x2e: {  	s3 =	simm.s32 @!p0 $0x1082;
	s9 =	sld [smem:$0x3FA7]  }
0x2f: {  	lr =	sadd.s32 s0, s3;
	s0 =	sld [smem:$0x3F9E]  }
0x30: {  	s3 =	sld [smem:$0x3FA1]  }
0x31: {  	[smem:$0x3FAA] =	sst s10  }
0x32: {  	s10 =	sld [smem:$0x3FA8];
	_ =	sdelay $0x3  }
0x33: {  	p0 =	seq.s32 s10, $0x1;
	s10 =	sld [smem:$0x3FAA];
	_ =	sdelay $0x3  }
0x34: {  	[smem:$0x3FAA] =	sst s10  }
0x35: {  	s10 =	sld [smem:$0x3FA9];
	_ =	sdelay $0x3  }
0x36: {  	p1 =	seq.s32 s10, $0x1;
	s10 =	sld [smem:$0x3FAA];
	_ =	sdelay $0x3  }
0x37: {  	[smem:$0x3FAA] =	sst s10  }
0x38: {  	s10 =	sld [smem:$0x3FAB]  }
0x39: {  	_ = 	snop;
	(pc) =	sbr.ind lr, $3  }
0x3a: {  	_ = 	snop  }
0x3b: {  	_ = 	snop  }
0x3c: {  	p2 =	seq.s32 s10, $0x1;
	s10 =	sld [smem:$0x3FAA]  }
0x3d: {  	_ =	shalt  }
0x3e: {  	_ =	shalt  }
0x3f: {  	_ =	shalt  }
0x40: {  	_ =	shalt  }
0x41: {  	_ =	shalt  }
0x42: {  	_ =	shalt  }
0x43: {  	_ =	shalt  }
0x44: {  	_ =	shalt  }
0x45: {  	_ =	shalt  }
0x46: {  	_ =	shalt  }
0x47: {  	_ =	shalt  }
0x48: {  	_ =	shalt  }
0x49: {  	_ =	shalt  }
0x4a: {  	_ =	shalt  }
0x4b: {  	_ =	shalt  }
0x4c: {  	_ =	shalt  }
0x4d: {  	_ =	shalt  }
0x4e: {  	_ =	shalt  }
0x4f: {  	_ =	shalt  }
0x50: {  	_ =	shalt  }
0x51: {  	_ =	shalt  }
0x52: {  	_ =	shalt  }
0x53: {  	_ =	shalt  }
0x54: {  	_ =	shalt  }
0x55: {  	_ =	shalt  }
0x56: {  	_ =	shalt  }
0x57: {  	_ =	shalt  }
0x58: {  	_ =	shalt  }
0x59: {  	_ =	shalt  }
0x5a: {  	_ =	shalt  }
0x5b: {  	_ =	shalt  }
0x5c: {  	_ =	shalt  }
0x5d: {  	_ =	shalt  }
0x5e: {  	_ =	shalt  }
0x5f: {  	_ =	shalt  }
0x60: {  	_ =	shalt  }
0x61: {  	_ =	shalt  }
0x62: {  	_ =	shalt  }
0x63: {  	_ =	shalt  }
0x64: {  	_ =	shalt  }
0x65: {  	_ =	shalt  }
0x66: {  	_ =	shalt  }
0x67: {  	_ =	shalt  }
0x68: {  	_ =	shalt  }
0x69: {  	_ =	shalt  }
0x6a: {  	_ =	shalt  }
0x6b: {  	_ =	shalt  }
0x6c: {  	_ =	shalt  }
0x6d: {  	_ =	shalt  }
0x6e: {  	_ =	shalt  }
0x6f: {  	_ =	shalt  }
0x70: {  	_ =	shalt  }
0x71: {  	_ =	shalt  }
0x72: {  	_ =	shalt  }
0x73: {  	_ =	shalt  }
0x74: {  	_ =	shalt  }
0x75: {  	_ =	shalt  }
0x76: {  	_ =	shalt  }
0x77: {  	_ =	shalt  }
0x78: {  	_ =	shalt  }
0x79: {  	_ =	shalt  }
0x7a: {  	_ =	shalt  }
0x7b: {  	_ =	shalt  }
0x7c: {  	_ =	shalt  }
0x7d: {  	_ =	shalt  }
0x7e: {  	_ =	shalt  }
0x7f: {  	_ =	shalt  }
0x80: {  	_ =	shalt  }
0x81: {  	_ =	shalt  }
0x82: {  	_ =	shalt  }
0x83: {  	_ =	shalt  }
0x84: {  	_ =	shalt  }
0x85: {  	_ =	shalt  }
0x86: {  	_ =	shalt  }
0x87: {  	_ =	shalt  }
.Lfunc_end0:
.L_simem_size_0:
called_computation.1_lowered:
.L_overlay_start_0:
0x88: {  	s2 =	sld [smem:$0x3FD9]  }
0x89: {  	s3 =	sld [smem:$0x3FFE];
	_ =	sdelay $0x1  }
0x8a: {  	s1 =	srdreg.scid  }
0x8b: {  	s0 =	sand.u32 $0x1, s1  }
0x8c: {  	s16 =	sshll.u32 s0, $0xA;
	s2 =	sadd.s32 s3, s2  }
0x8d: {  	s2 =	sadd.s32 s2, s16  }
0x8e: {  	[smem:$0x3FB6] =	sst s2  }
0x8f: {  	_ = 	snop  }
0x90: {  	(tm) =	ssettm $0x1  }
0x91: {  	s17 =	sld [smem:$0x3FFB];
	_ =	sdelay $0x3  }
0x92: {  	_ =	strace s17  }
0x93: {  	s2 =	sld [smem:$0x3FFC];
	_ =	sdelay $0x3  }
0x94: {  	_ =	strace s2  }
0x95: {  	s2 =	sld [smem:$0x3FFD];
	_ =	sdelay $0x3  }
0x96: {  	_ =	strace s2  }
0x97: {  	_ =	strace $0x8FFFFFFF  }
0x98: {  	s18 =	sld [smem:$0x3FDB];
	_ =	sdelay $0x1  }
0x99: {  	s19 =	simm.s32 $_scs_section_size  }
0x9a: {  	s4 =	simm.s32 $_size__tile_overlayer_lowered;
	s5 =	simm.s32 $_tile_overlayer_lowered  }
0x9b: {  	s22 =	simm.s32 $0x1BFF;
	s21 =	sshll.u32 s5, $0x1;
	s2 =	sadd.s32 s19, s18  }
0x9c: {  	s6 =	simm.s32 $0x0;
	s20 =	sshll.u32 s4, $0x1;
	s4 =	sadd.s32 s21, s2  }
0x9d: {  	[timem:s6], [sflag:s22] =	dma.local [hbm:s4], s20  }
0x9e: {  	_ =	swait.ge [sflag:s22], s20  }
0x9f: {  	s3 =	ssub.s32 $0x0, s20;
	[sflag:s22] =	ssyncset.done $0x0  }
0xa0: {  	[sflag:s22] =	ssyncadd.s32 s3;
	_ =	sdelay $0x1  }
0xa1: {  	s23 =	simm.s32 $0x1B8B  }
0xa2: {  	_ =	swait.ge [sflag:s23], $0x1  }
0xa3: {  	[sflag:s23] =	ssyncset.done $0x0  }
0xa4: {  	s25 =	simm.s32 $0x1B8E;
	s24 =	sld [smem:$0x3FFE];
	[sflag:s23] =	ssyncadd.s32 $0xFFFFFFFF  }
0xa5: {  	s26 =	simm.s32 $execute0_lowered;
	[smem:$0x3FD2] =	sst s25  }
0xa6: {  	s4 =	sshll.u32 s26, $0x1;
	_ =	strace $0x80000049;
	[dreg:$0x1] =	wrdreg $0xFFFFFFFF  }
0xa7: {  	s28 =	simm.s32 $_size_execute0_lowered;
	s2 =	sadd.s32 s2, s4;
	[dreg:$0x0] =	wrdreg $0x0  }
0xa8: {  	s4 =	sshll.u32 s28, $0x1;
	[dreg:$0x2] =	wrdreg s2  }
0xa9: {  	[dreg:$0x3] =	wrdreg s4  }
0xaa: {  	[dreg:$0x4] =	wrdreg $0xC0  }
0xab: {  	_ =	task [dreg:s6], $0x5FFFF  }
0xac: {  	[dreg:$0x1] =	wrdreg $0xFFFFFFFF  }
0xad: {  	[dreg:$0x0] =	wrdreg $0x60  }
0xae: {  	[dreg:$0x2] =	wrdreg s24  }
0xaf: {  	[dreg:$0x3] =	wrdreg $0xADC00  }
0xb0: {  	[dreg:$0x4] =	wrdreg $0x9  }
0xb1: {  	_ =	task.clear_ibuf [dreg:s6], $0x5FFFF;
	_ =	strace $0x90000049  }
0xb2: {  	s29 =	simm.s32 $0x9;
	_ =	strace $0x8000004B  }
0xb3: {  	_ =	swait.ge [sflag:s29], $0x1  }
0xb4: {  	[sflag:s29] =	ssyncadd.s32 $0xFFFFFFFF  }
0xb5: {  	_ =	strace $0x9000004B  }
0xb6: {  	_ =	sfence  }
0xb7: {  	s30 =	sld [smem:$0x0];
	_ =	sdelay $0x2  }
0xb8: {  	s31 =	sshll.u32 s1, $0xD;
	s1 =	sshrl.u32 s1, $0x2  }
0xb9: {  	s3 =	sand.u32 $0x4000, s31;
	s1 =	sadd.s32 s1, s30  }
0xba: {  	s0 =	sor.u32 s3, s0;
	s1 =	sshll.u32 s1, $0x11  }
0xbb: {  	s0 =	sor.u32 s1, s0  }
0xbc: {  	s0 =	sadd.s32 $0x8F2B, s0  }
0xbd: {  	[sflag:s0] =	ssyncadd.remote.s32 $0x1  }
0xbe: {  	_ =	sfence.sel $0xFFFF  }
0xbf: {  	[dreg:$0x0] =	wrdreg $0xFFFFFFFF;
	(pc) =	sbr.abs _section_cstart, $3  }
0xc0: {  	[dreg:$0x1] =	wrdreg $0xFFFFFFFF  }
0xc1: {  	_ =	task.clear_ibuf [dreg:s6], $0x2FFFF;
	_ =	strace $0x9FFFFFFF  }
0xc2: {  	(tm) =	ssettm $0x7FFFFFFF  }
0xc3: {  	_ =	shalt  }
tec
execute0_lowered:
.L_overlay_start_1:
0x0: {  	(tag) =	ssettag $0x1  }
0x1: {  	s0 =	srdreg.scid;
	s5 =	rddreg [dreg:$0x0]  }
0x2: {  	s11 =	stileid.u32;
	s2 =	rddreg [dreg:$0x1];
	s3 =	simm.s32 $0x0  }
0x3: {  	s12 =	simm.s32 $0x5;
	s14 =	simm.s32 $0x7D;
	s15 =	simm.s32 $0x5000  }
0x4: {  	s16 =	simm.s32 $0x80;
	s17 =	simm.s32 $0x6770;
	s18 =	simm.s32 $0x100  }
0x5: {  	s19 =	simm.s32 $0x7EE0;
	s20 =	simm.s32 $0x180;
	s21 =	simm.s32 $0x9650  }
0x6: {  	s22 =	simm.s32 $0x1;
	s23 =	simm.s32 $0x2;
	s24 =	simm.s32 $0x3  }
0x7: {  	s28 =	simm.s32 $0x4E80;
	s29 =	simm.s32 $0x4F00;
	s30 =	simm.s32 $0x4F80  }
0x8: {  	s31 =	simm.s32 $0x0;
	s0 =	sand.u32 $0x1, s0;
	s6 =	smul.u32 $0x7800, s11  }
0x9: {  	[smem:$0x7FF] =	sst s3;
	s4 =	sadd.s32 $0x2C00, s5;
	s25 =	sshll.u32 s11, $0x6  }
0xa: {  	s1 =	sshll.u32 s0, $0x4;
	s7 =	smul.u32 $0x78000, s0;
	_ =	strace $0x8000004A  }
0xb: {  	s0 =	ssub.s32 $0x2, s0;
	s1 =	sor.u32 s11, s1;
	s8 =	sshrl.u32 s6, $0x3  }
0xc: {  	s9 =	sshrl.u32 s0, $0x1;
	s26 =	sadd.s32 s6, s2;
	s1 =	smul.u32 $0x500, s1  }
0xd: {  	s7 =	sadd.s32 s6, s7;
	s8 =	sadd.s32 s8, s5;
	s0 =	ssub.s32 s0, s9  }
0xe: {  	s6 =	sor.u32 $0x1C05, s25;
	s11 =	sshrl.u32 s26, $0x3;
	s25 =	simm.s32 $0x4  }
0xf: {  	s26 =	simm.s32 $0x4E00;
	s7 =	sshrl.u32 s7, $0x3;
	s1 =	sadd.s32 s1, s5  }
0x10: {  	s10 =	sadd.s32 s7, s5;
	s5 =	sadd.s32 $0x11800, s8;
	s7 =	sadd.s32 $0xB6E00, s1  }
0x11: {  	s8 =	sadd.s32 $0xACE00, s1;
	s9 =	sadd.s32 $0x20800, s10;
	s10 =	smax.u32 s0, $0x1  }
.LBB2_1:
0x12: {  	[spmem:s11], [sflag:s6] =	dma.local [hbm:s5], $0xF00  }
0x13: {  	_ =	swait.ge [sflag:s12], $0xF00  }
0x14: {  	[sflag:s12] =	ssyncset.done $0x0  }
0x15: {  	[sflag:s12] =	ssyncadd.s32 $0xFFFFF100  }
0x16: {  	[tilespmem:s3], [sflag:$0x5] =	stream.linear.gather [hbm4b:s7+s3], $0x2800, $0x38;
	[tilespmem:$0x125C0] =	vst v63  }
0x17: {  	_ =	swait.ge [sflag:s12], $0x2800  }
0x18: {  	[sflag:s12] =	ssyncset.done $0x0  }
0x19: {  	s0 =	simm.s32 $0x2800;
	[sflag:s12] =	ssyncadd.s32 $0xFFFFD800  }
0x1a: {  	[tilespmem:s0], [sflag:$0x5] =	stream.linear.gather [hbm4b:s8+s3], $0x2800, $0x38;
	[tilespmem:$0x125C0] =	vst v63  }
0x1b: {  	_ =	swait.ge [sflag:s12], $0x2800  }
0x1c: {  	[sflag:s12] =	ssyncset.done $0x0  }
0x1d: {  	[sflag:s12] =	ssyncadd.s32 $0xFFFFD800  }
0x1e: {  	[bflag:$0x0] =	sbarrier.arrive $0xFFFF  }
0x1f: {  	[tilespmem:s15], [sflag:$0x1] =	stream.indirect.gather [hbm4b:s4+s14], $0x30, s3, s14, $0xb8;
	[tilespmem:$0x125C0] =	vst v63  }
0x20: {  	_ = 	snop  }
0x21: {  	[tilespmem:s17], [sflag:$0x2] =	stream.indirect.gather [hbm4b:s4+s14], $0x30, s16, s14, $0xb8;
	[tilespmem:$0x125C0] =	vst v63  }
0x22: {  	_ = 	snop  }
0x23: {  	[tilespmem:s19], [sflag:$0x3] =	stream.indirect.gather [hbm4b:s4+s14], $0x30, s18, s14, $0xb8;
	[tilespmem:$0x125C0] =	vst v63  }
0x24: {  	_ = 	snop  }
0x25: {  	[tilespmem:s21], [sflag:$0x4] =	stream.indirect.gather [hbm4b:s4+s14], $0x30, s20, s14, $0xb8;
	[tilespmem:$0x125C0] =	vst v63  }
0x26: {  	_ =	swait.ge [sflag:s22], $0x1770  }
0x27: {  	[sflag:s22] =	ssyncset.done $0x0  }
0x28: {  	s13 =	simm.s32 $0x2800;
	[sflag:s22] =	ssyncadd.s32 $0xFFFFE890  }
0x29: {  	[spmem:s2] =	stream.indirect.scatter.add.f32 [tilespmem:s15], [sflag:$0x5], $0x30, s13, s14, $0xb8;
	[tilespmem:$0x125C0] =	vst v63  }
0x2a: {  	_ =	swait.ge [sflag:s12], $0x1770  }
0x2b: {  	[sflag:s12] =	ssyncset.done $0x0  }
0x2c: {  	s1 =	simm.s32 $0x200;
	[sflag:s12] =	ssyncadd.s32 $0xFFFFE890  }
0x2d: {  	[tilespmem:s15], [sflag:$0x1] =	stream.indirect.gather [hbm4b:s4+s14], $0x30, s1, s14, $0xb8;
	[tilespmem:$0x125C0] =	vst v63  }
0x2e: {  	_ =	swait.ge [sflag:s23], $0x1770  }
0x2f: {  	[sflag:s23] =	ssyncset.done $0x0  }
0x30: {  	s13 =	simm.s32 $0x2880;
	[sflag:s23] =	ssyncadd.s32 $0xFFFFE890  }
0x31: {  	[spmem:s2] =	stream.indirect.scatter.add.f32 [tilespmem:s17], [sflag:$0x5], $0x30, s13, s14, $0xb8;
	[tilespmem:$0x125C0] =	vst v63  }
0x32: {  	_ =	swait.ge [sflag:s12], $0x1770  }
0x33: {  	[sflag:s12] =	ssyncset.done $0x0  }
0x34: {  	s1 =	simm.s32 $0x280;
	[sflag:s12] =	ssyncadd.s32 $0xFFFFE890  }
0x35: {  	[tilespmem:s17], [sflag:$0x2] =	stream.indirect.gather [hbm4b:s4+s14], $0x30, s1, s14, $0xb8;
	[tilespmem:$0x125C0] =	vst v63  }
0x36: {  	_ =	swait.ge [sflag:s24], $0x1770  }
0x37: {  	[sflag:s24] =	ssyncset.done $0x0  }
0x38: {  	s13 =	simm.s32 $0x2900;
	[sflag:s24] =	ssyncadd.s32 $0xFFFFE890  }
0x39: {  	[spmem:s2] =	stream.indirect.scatter.add.f32 [tilespmem:s19], [sflag:$0x5], $0x30, s13, s14, $0xb8;
	[tilespmem:$0x125C0] =	vst v63  }
0x3a: {  	_ =	swait.ge [sflag:s12], $0x1770  }
0x3b: {  	[sflag:s12] =	ssyncset.done $0x0  }
0x3c: {  	s1 =	simm.s32 $0x300;
	[sflag:s12] =	ssyncadd.s32 $0xFFFFE890  }
0x3d: {  	[tilespmem:s19], [sflag:$0x3] =	stream.indirect.gather [hbm4b:s4+s14], $0x30, s1, s14, $0xb8;
	[tilespmem:$0x125C0] =	vst v63  }
0x3e: {  	_ =	swait.ge [sflag:s25], $0x1770  }
0x3f: {  	[sflag:s25] =	ssyncset.done $0x0  }
0x40: {  	s13 =	simm.s32 $0x2980;
	[sflag:s25] =	ssyncadd.s32 $0xFFFFE890  }
0x41: {  	[spmem:s2] =	stream.indirect.scatter.add.f32 [tilespmem:s21], [sflag:$0x5], $0x30, s13, s14, $0xb8;
	[tilespmem:$0x125C0] =	vst v63  }
0x42: {  	_ =	swait.ge [sflag:s12], $0x1770  }
0x43: {  	[sflag:s12] =	ssyncset.done $0x0  }
0x44: {  	s0 =	simm.s32 $0x380;
	s1 =	simm.s32 $0x800;
	[sflag:s12] =	ssyncadd.s32 $0xFFFFE890  }
.LBB2_2:
0x45: {  	[tilespmem:s21], [sflag:$0x4] =	stream.indirect.gather [hbm4b:s4+s14], $0x30, s0, s14, $0xb8;
	[tilespmem:$0x125C0] =	vst v63  }
0x46: {  	s0 =	smov.u32 s1  }
0x47: {  	p0 =	sne.s32 s1, $0x9000;
	s1 =	sadd.s32 $0x800, s1;
	_ =	swait.ge [sflag:s22], $0x1770  }
0x48: {  	s0 =	sshra.s32 s0, $0x2;
	[sflag:s22] =	ssyncset.done $0x0  }
0x49: {  	s13 =	sadd.s32 $0x2800, s0;
	[sflag:s22] =	ssyncadd.s32 $0xFFFFE890  }
0x4a: {  	[spmem:s2] =	stream.indirect.scatter.add.f32 [tilespmem:s15], [sflag:$0x5], $0x30, s13, s14, $0xb8;
	[tilespmem:$0x125C0] =	vst v63  }
0x4b: {  	_ =	swait.ge [sflag:s12], $0x1770  }
0x4c: {  	[sflag:s12] =	ssyncset.done $0x0  }
0x4d: {  	s13 =	sadd.s32 $0x200, s0;
	[sflag:s12] =	ssyncadd.s32 $0xFFFFE890  }
0x4e: {  	[tilespmem:s15], [sflag:$0x1] =	stream.indirect.gather [hbm4b:s4+s14], $0x30, s13, s14, $0xb8;
	[tilespmem:$0x125C0] =	vst v63  }
0x4f: {  	_ =	swait.ge [sflag:s23], $0x1770  }
0x50: {  	[sflag:s23] =	ssyncset.done $0x0  }
0x51: {  	s13 =	sadd.s32 $0x2880, s0;
	[sflag:s23] =	ssyncadd.s32 $0xFFFFE890  }
0x52: {  	[spmem:s2] =	stream.indirect.scatter.add.f32 [tilespmem:s17], [sflag:$0x5], $0x30, s13, s14, $0xb8;
	[tilespmem:$0x125C0] =	vst v63  }
0x53: {  	_ =	swait.ge [sflag:s12], $0x1770  }
0x54: {  	[sflag:s12] =	ssyncset.done $0x0  }
0x55: {  	s13 =	sadd.s32 $0x280, s0;
	[sflag:s12] =	ssyncadd.s32 $0xFFFFE890  }
0x56: {  	[tilespmem:s17], [sflag:$0x2] =	stream.indirect.gather [hbm4b:s4+s14], $0x30, s13, s14, $0xb8;
	[tilespmem:$0x125C0] =	vst v63  }
0x57: {  	_ =	swait.ge [sflag:s24], $0x1770  }
0x58: {  	[sflag:s24] =	ssyncset.done $0x0  }
0x59: {  	s13 =	sadd.s32 $0x2900, s0;
	[sflag:s24] =	ssyncadd.s32 $0xFFFFE890  }
0x5a: {  	[spmem:s2] =	stream.indirect.scatter.add.f32 [tilespmem:s19], [sflag:$0x5], $0x30, s13, s14, $0xb8;
	[tilespmem:$0x125C0] =	vst v63  }
0x5b: {  	_ =	swait.ge [sflag:s12], $0x1770  }
0x5c: {  	[sflag:s12] =	ssyncset.done $0x0  }
0x5d: {  	s13 =	sadd.s32 $0x300, s0;
	[sflag:s12] =	ssyncadd.s32 $0xFFFFE890  }
0x5e: {  	[tilespmem:s19], [sflag:$0x3] =	stream.indirect.gather [hbm4b:s4+s14], $0x30, s13, s14, $0xb8;
	[tilespmem:$0x125C0] =	vst v63  }
0x5f: {  	_ =	swait.ge [sflag:s25], $0x1770  }
0x60: {  	[sflag:s25] =	ssyncset.done $0x0  }
.Ltmp0:
0x61: {  	s13 =	sadd.s32 $0x2980, s0;
	[sflag:s25] =	ssyncadd.s32 $0xFFFFE890;
	(pc) =	sbr.rel @p0 .LBB2_2-.Ltmp0, $4  }
0x62: {  	[spmem:s2] =	stream.indirect.scatter.add.f32 [tilespmem:s21], [sflag:$0x5], $0x30, s13, s14, $0xb8;
	[tilespmem:$0x125C0] =	vst v63  }
0x63: {  	_ =	swait.ge [sflag:s12], $0x1770  }
0x64: {  	[sflag:s12] =	ssyncset.done $0x0  }
0x65: {  	s0 =	sadd.s32 $0x380, s0;
	[sflag:s12] =	ssyncadd.s32 $0xFFFFE890  }
0x66: {  	[tilespmem:s21], [sflag:$0x4] =	stream.indirect.gather [hbm4b:s4+s14], $0x30, s0, s14, $0xb8;
	[tilespmem:$0x125C0] =	vst v63  }
0x67: {  	_ =	swait.ge [sflag:s22], $0x1770  }
0x68: {  	[sflag:s22] =	ssyncset.done $0x0  }
0x69: {  	[sflag:s22] =	ssyncadd.s32 $0xFFFFE890  }
0x6a: {  	[spmem:s2] =	stream.indirect.scatter.add.f32 [tilespmem:s15], [sflag:$0x5], $0x30, s26, s14, $0xb8;
	[tilespmem:$0x125C0] =	vst v63  }
0x6b: {  	_ =	swait.ge [sflag:s12], $0x1770  }
0x6c: {  	[sflag:s12] =	ssyncset.done $0x0  }
0x6d: {  	[sflag:s12] =	ssyncadd.s32 $0xFFFFE890  }
0x6e: {  	_ =	swait.ge [sflag:s23], $0x1770  }
0x6f: {  	[sflag:s23] =	ssyncset.done $0x0  }
0x70: {  	[sflag:s23] =	ssyncadd.s32 $0xFFFFE890  }
0x71: {  	[spmem:s2] =	stream.indirect.scatter.add.f32 [tilespmem:s17], [sflag:$0x5], $0x30, s28, s14, $0xb8;
	[tilespmem:$0x125C0] =	vst v63  }
0x72: {  	_ =	swait.ge [sflag:s12], $0x1770  }
0x73: {  	[sflag:s12] =	ssyncset.done $0x0  }
0x74: {  	[sflag:s12] =	ssyncadd.s32 $0xFFFFE890  }
0x75: {  	_ =	swait.ge [sflag:s24], $0x1770  }
0x76: {  	[sflag:s24] =	ssyncset.done $0x0  }
0x77: {  	[sflag:s24] =	ssyncadd.s32 $0xFFFFE890  }
0x78: {  	[spmem:s2] =	stream.indirect.scatter.add.f32 [tilespmem:s19], [sflag:$0x5], $0x30, s29, s14, $0xb8;
	[tilespmem:$0x125C0] =	vst v63  }
0x79: {  	_ =	swait.ge [sflag:s12], $0x1770  }
0x7a: {  	[sflag:s12] =	ssyncset.done $0x0  }
0x7b: {  	[sflag:s12] =	ssyncadd.s32 $0xFFFFE890  }
0x7c: {  	_ =	swait.ge [sflag:s25], $0x1770  }
0x7d: {  	[sflag:s25] =	ssyncset.done $0x0  }
0x7e: {  	[sflag:s25] =	ssyncadd.s32 $0xFFFFE890  }
0x7f: {  	[spmem:s2] =	stream.indirect.scatter.add.f32 [tilespmem:s21], [sflag:$0x5], $0x30, s30, s14, $0xb8;
	[tilespmem:$0x125C0] =	vst v63  }
0x80: {  	_ =	swait.ge [sflag:s12], $0x1770  }
0x81: {  	s31 =	sadd.s32 $0x1, s31;
	[sflag:s12] =	ssyncset.done $0x0  }
0x82: {  	p0 =	sne.s32 s31, s10;
	[sflag:s12] =	ssyncadd.s32 $0xFFFFE890  }
.Ltmp1:
0x83: {  	[bflag:$0x0] =	sbarrier.arrive $0xFFFF;
	(pc) =	sbr.rel @p0 .LBB2_1-.Ltmp1, $4  }
0x84: {  	[hbm:s9], [sflag:s6] =	dma.local [spmem:s11], $0xF00  }
0x85: {  	_ =	swait.ge [sflag:s12], $0xF00  }
0x86: {  	[sflag:s12] =	ssyncset.done $0x0  }
0x87: {  	[sflag:s12] =	ssyncadd.s32 $0xFFFFF100  }
0x88: {  	_ =	sfence.sel $0x180000  }
0x89: {  	[bflag:$0x0] =	sbarrier.arrive $0xFFFF  }
0x8a: {  	_ =	strace $0x9000004A  }
0x8b: {  	s0 =	stileid.u32;
	[bflag:$0x2] =	sbarrier.arrive $0xFFFF  }
0x8c: {  	p0 =	sne.s32 s0, $0x0;
	s0 =	rddreg [dreg:$0x2]  }
0x8d: {  	s0 =	sadd.s32 @!p0 $0x100000, s0  }
0x8e: {  	[sflag:s0] =	ssyncadd.tile.s32 @!p0 $0x1;
	_ =	shalt  }
.Lfunc_end2:
_tile_overlayer_lowered:
.L_overlay_start_2:
0x8f: {  	(tag) =	ssettag $0x2  }
0x90: {  	s0 =	rddreg [dreg:$0x0];
	s2 =	stileid.u32  }
0x91: {  	s1 =	rddreg [dreg:$0x1];
	p0 =	sne.s32 s2, $0x0  }
0x92: {  	s3 =	rddreg [dreg:$0x2];
	[bflag:$0x3] =	sbarrier.arrive $0xFFFF;
	s2 =	simm.s32 @!p0 $0x1C05  }
0x93: {  	[timem:s3], [sflag:s2] =	dma.local @!p0 [hbm:s0], s1  }
0x94: {  	s0 =	simm.s32 @!p0 $0x5  }
0x95: {  	_ =	swait.ge @!p0 [sflag:s0], s1  }
0x96: {  	s1 =	ssub.s32 @!p0 $0x0, s1;
	[sflag:s0] =	ssyncset.done @!p0 $0x0  }
0x97: {  	[sflag:s0] =	ssyncadd.s32 @!p0 s1  }
0x98: {  	[bflag:$0x3] =	sbarrier.arrive $0xFFFF  }
0x99: {  	_ =	shalt  }

// kernel: kernel.7.cloned.1.call-start
scs
__scs_entry_jumppad:
0x0: {  	(pc) =	sbr.rel $0x88, $3  }
0x1: {  	(tag) =	ssettag $0x0;
	lr =	simm.s32 $0x1  }
0x2: {  	[smem:$0x3F8F] =	sst lr;
	_ =	strace $0xD0000000  }
0x3: {  	_ = 	snop  }
0x4: {  	_ = 	snop  }
0x5: {  	_ = 	snop  }
0x6: {  	_ = 	snop  }
0x7: {  	_ = 	snop  }
__scs_overlays_trampoline_lowered:
0x8: {  	[smem:$0x3F9E] =	sst s0  }
0x9: {  	[smem:$0x3F9F] =	sst s1  }
0xa: {  	[smem:$0x3FA0] =	sst s2  }
0xb: {  	[smem:$0x3FA1] =	sst s3  }
0xc: {  	[smem:$0x3FA2] =	sst s4  }
0xd: {  	[smem:$0x3FA3] =	sst s5  }
0xe: {  	[smem:$0x3FA4] =	sst s6  }
0xf: {  	[smem:$0x3FA5] =	sst s7  }
0x10: {  	[smem:$0x3FA6] =	sst s8  }
0x11: {  	[smem:$0x3FA7] =	sst s9;
	s0 =	simm.s32 @!p0 $0x0  }
0x12: {  	s1 =	sld [smem:$0x3F8D];
	s0 =	simm.s32 @p0 $0x1  }
0x13: {  	[smem:$0x3FA8] =	sst s0;
	s0 =	simm.s32 @!p1 $0x0  }
0x14: {  	s2 =	sld [smem:$0x3F8C];
	s0 =	simm.s32 @p1 $0x1  }
0x15: {  	[smem:$0x3FA9] =	sst s0;
	s0 =	simm.s32 @!p2 $0x0  }
0x16: {  	s3 =	sld [smem:$0x3FDB];
	s0 =	simm.s32 @p2 $0x1  }
0x17: {  	s4 =	simm.s32 $0x1BF5;
	[smem:$0x3FAB] =	sst s0  }
0x18: {  	s0 =	sld [smem:$0x3F8E];
	_ =	swait.ge [sflag:s4], $0x0  }
0x19: {  	s7 =	sld [smem:$0x3F8F]  }
0x1a: {  	s8 =	sadd.s32 $0xFFFFE003, lr  }
0x1b: {  	s9 =	sadd.s32 $0xFFFFFEF7, lr;
	s5 =	simm.s32 $0xFFFFFFFF;
	p2 =	slt.u32 s8, $0xFFFFF086  }
0x1c: {  	p1 =	slt.u32 s9, $0xF7A;
	s5 =	simm.s32 @!p2 $0x0  }
0x1d: {  	s5 =	simm.s32 @p1 $0x1;
	p0 =	seq.s32 s7, s2  }
0x1e: {  	s7 =	smul.u32 @!p0 $0xF7A, s2;
	p2 =	seq.s32 @!p0 s5, $0x0  }
0x1f: {  	s9 =	smul.u32 $0xF7A, s1;
	s8 =	simm.s32 @!p0 $0x1BF5;
	p2 =	por !p2, p0  }
0x20: {  	[sflag:s8] =	ssyncset.s32 @!p0 $0xFFFFF086;
	s6 =	sadd.s32 @!p0 s3, s7;
	s7 =	simm.s32 @!p0 $0x108  }
0x21: {  	s3 =	sadd.s32 s3, s9;
	s6 =	sadd.s32 @!p0 $0x88, s6;
	s7 =	simm.s32 @p2 $0x1082  }
0x22: {  	[simem:s7], [sflag:s8] =	dma.local @!p0 [hbm:s6], $0xF7A  }
0x23: {  	s9 =	sor.u32 $0xD0000000, s2;
	s6 =	simm.s32 $0x108;
	_ =	swait.ge @!p0 [sflag:s8], $0x0  }
0x24: {  	s3 =	sadd.s32 $0x88, s3;
	s6 =	simm.s32 @!p1 $0x1082;
	[sflag:s4] =	ssyncset.s32 $0xFFFFF086  }
0x25: {  	[simem:s6], [sflag:s4] =	dma.local [hbm:s3], $0xF7A  }
0x26: {  	[smem:$0x3F8F] =	sst s1;
	(tag) =	ssettag s2;
	_ =	strace s9  }
0x27: {  	s1 =	sld [smem:$0x3F9F]  }
0x28: {  	s2 =	sld [smem:$0x3FA0]  }
0x29: {  	s4 =	sld [smem:$0x3FA2]  }
0x2a: {  	p0 =	seq.s32 s5, $0x0;
	s5 =	sld [smem:$0x3FA3]  }
0x2b: {  	s6 =	sld [smem:$0x3FA4]  }
0x2c: {  	s7 =	sld [smem:$0x3FA5]  }
0x2d: {  	s3 =	simm.s32 $0x108;
	s8 =	sld [smem:$0x3FA6]  }
0x2e: {  	s3 =	simm.s32 @!p0 $0x1082;
	s9 =	sld [smem:$0x3FA7]  }
0x2f: {  	lr =	sadd.s32 s0, s3;
	s0 =	sld [smem:$0x3F9E]  }
0x30: {  	s3 =	sld [smem:$0x3FA1]  }
0x31: {  	[smem:$0x3FAA] =	sst s10  }
0x32: {  	s10 =	sld [smem:$0x3FA8];
	_ =	sdelay $0x3  }
0x33: {  	p0 =	seq.s32 s10, $0x1;
	s10 =	sld [smem:$0x3FAA];
	_ =	sdelay $0x3  }
0x34: {  	[smem:$0x3FAA] =	sst s10  }
0x35: {  	s10 =	sld [smem:$0x3FA9];
	_ =	sdelay $0x3  }
0x36: {  	p1 =	seq.s32 s10, $0x1;
	s10 =	sld [smem:$0x3FAA];
	_ =	sdelay $0x3  }
0x37: {  	[smem:$0x3FAA] =	sst s10  }
0x38: {  	s10 =	sld [smem:$0x3FAB]  }
0x39: {  	_ = 	snop;
	(pc) =	sbr.ind lr, $3  }
0x3a: {  	_ = 	snop  }
0x3b: {  	_ = 	snop  }
0x3c: {  	p2 =	seq.s32 s10, $0x1;
	s10 =	sld [smem:$0x3FAA]  }
0x3d: {  	_ =	shalt  }
0x3e: {  	_ =	shalt  }
0x3f: {  	_ =	shalt  }
0x40: {  	_ =	shalt  }
0x41: {  	_ =	shalt  }
0x42: {  	_ =	shalt  }
0x43: {  	_ =	shalt  }
0x44: {  	_ =	shalt  }
0x45: {  	_ =	shalt  }
0x46: {  	_ =	shalt  }
0x47: {  	_ =	shalt  }
0x48: {  	_ =	shalt  }
0x49: {  	_ =	shalt  }
0x4a: {  	_ =	shalt  }
0x4b: {  	_ =	shalt  }
0x4c: {  	_ =	shalt  }
0x4d: {  	_ =	shalt  }
0x4e: {  	_ =	shalt  }
0x4f: {  	_ =	shalt  }
0x50: {  	_ =	shalt  }
0x51: {  	_ =	shalt  }
0x52: {  	_ =	shalt  }
0x53: {  	_ =	shalt  }
0x54: {  	_ =	shalt  }
0x55: {  	_ =	shalt  }
0x56: {  	_ =	shalt  }
0x57: {  	_ =	shalt  }
0x58: {  	_ =	shalt  }
0x59: {  	_ =	shalt  }
0x5a: {  	_ =	shalt  }
0x5b: {  	_ =	shalt  }
0x5c: {  	_ =	shalt  }
0x5d: {  	_ =	shalt  }
0x5e: {  	_ =	shalt  }
0x5f: {  	_ =	shalt  }
0x60: {  	_ =	shalt  }
0x61: {  	_ =	shalt  }
0x62: {  	_ =	shalt  }
0x63: {  	_ =	shalt  }
0x64: {  	_ =	shalt  }
0x65: {  	_ =	shalt  }
0x66: {  	_ =	shalt  }
0x67: {  	_ =	shalt  }
0x68: {  	_ =	shalt  }
0x69: {  	_ =	shalt  }
0x6a: {  	_ =	shalt  }
0x6b: {  	_ =	shalt  }
0x6c: {  	_ =	shalt  }
0x6d: {  	_ =	shalt  }
0x6e: {  	_ =	shalt  }
0x6f: {  	_ =	shalt  }
0x70: {  	_ =	shalt  }
0x71: {  	_ =	shalt  }
0x72: {  	_ =	shalt  }
0x73: {  	_ =	shalt  }
0x74: {  	_ =	shalt  }
0x75: {  	_ =	shalt  }
0x76: {  	_ =	shalt  }
0x77: {  	_ =	shalt  }
0x78: {  	_ =	shalt  }
0x79: {  	_ =	shalt  }
0x7a: {  	_ =	shalt  }
0x7b: {  	_ =	shalt  }
0x7c: {  	_ =	shalt  }
0x7d: {  	_ =	shalt  }
0x7e: {  	_ =	shalt  }
0x7f: {  	_ =	shalt  }
0x80: {  	_ =	shalt  }
0x81: {  	_ =	shalt  }
0x82: {  	_ =	shalt  }
0x83: {  	_ =	shalt  }
0x84: {  	_ =	shalt  }
0x85: {  	_ =	shalt  }
0x86: {  	_ =	shalt  }
0x87: {  	_ =	shalt  }
.Lfunc_end0:
.L_simem_size_0:
called_computation_lowered:
.L_overlay_start_0:
0x88: {  	s2 =	sld [smem:$0x3FD9]  }
0x89: {  	s3 =	sld [smem:$0x3FFE];
	_ =	sdelay $0x1  }
0x8a: {  	s1 =	srdreg.scid  }
0x8b: {  	s0 =	sand.u32 $0x1, s1  }
0x8c: {  	s17 =	sshll.u32 s0, $0xA;
	s2 =	sadd.s32 s3, s2  }
0x8d: {  	s2 =	sadd.s32 s2, s17  }
0x8e: {  	[smem:$0x3FB6] =	sst s2  }
0x8f: {  	_ = 	snop  }
0x90: {  	s2 =	sld [smem:$0x3FD0];
	(tm) =	ssettm $0x1  }
0x91: {  	s18 =	sld [smem:$0x3FFB];
	_ =	sdelay $0x3  }
0x92: {  	_ =	strace s18  }
0x93: {  	s3 =	sld [smem:$0x3FFC];
	_ =	sdelay $0x3  }
0x94: {  	_ =	strace s3  }
0x95: {  	s3 =	sld [smem:$0x3FFD];
	_ =	sdelay $0x3  }
0x96: {  	_ =	strace s3  }
0x97: {  	_ =	strace $0x8FFFFFFF  }
0x98: {  	s19 =	sld [smem:$0x3FDB];
	_ =	sdelay $0x1  }
0x99: {  	s4 =	simm.s32 $_scs_section_size  }
0x9a: {  	s5 =	simm.s32 $_size__tile_overlayer_lowered;
	s6 =	simm.s32 $_tile_overlayer_lowered  }
0x9b: {  	s22 =	simm.s32 $0x1BFF;
	s21 =	sshll.u32 s6, $0x1;
	s3 =	sadd.s32 s4, s19  }
0x9c: {  	s7 =	simm.s32 $0x0;
	s20 =	sshll.u32 s5, $0x1;
	s5 =	sadd.s32 s21, s3  }
0x9d: {  	[timem:s7], [sflag:s22] =	dma.local [hbm:s5], s20  }
0x9e: {  	_ =	swait.ge [sflag:s22], s20  }
0x9f: {  	s4 =	ssub.s32 $0x0, s20;
	[sflag:s22] =	ssyncset.done $0x0  }
0xa0: {  	[sflag:s22] =	ssyncadd.s32 s4;
	_ =	sdelay $0x1  }
0xa1: {  	s23 =	simm.s32 $0x1B8B  }
0xa2: {  	_ =	swait.ge [sflag:s23], $0x1  }
0xa3: {  	[sflag:s23] =	ssyncset.done $0x0  }
0xa4: {  	s25 =	simm.s32 $0x1B8E;
	s24 =	sld [smem:$0x3FFE];
	[sflag:s23] =	ssyncadd.s32 $0xFFFFFFFF  }
0xa5: {  	s26 =	simm.s32 $execute0_lowered;
	[smem:$0x3FD2] =	sst s25  }
0xa6: {  	s5 =	sshll.u32 s26, $0x1;
	_ =	strace $0x80000046;
	[dreg:$0x1] =	wrdreg $0xFFFFFFFF  }
0xa7: {  	s28 =	simm.s32 $_size_execute0_lowered;
	s3 =	sadd.s32 s3, s5;
	[dreg:$0x0] =	wrdreg $0x0  }
0xa8: {  	s5 =	sshll.u32 s28, $0x1;
	[dreg:$0x2] =	wrdreg s3  }
0xa9: {  	[dreg:$0x3] =	wrdreg s5  }
0xaa: {  	[dreg:$0x4] =	wrdreg $0xC0  }
0xab: {  	_ =	task [dreg:s7], $0x5FFFF  }
0xac: {  	[dreg:$0x1] =	wrdreg $0xFFFFFFFF  }
0xad: {  	[dreg:$0x0] =	wrdreg $0x60  }
0xae: {  	[dreg:$0x2] =	wrdreg s24  }
0xaf: {  	[dreg:$0x3] =	wrdreg s2  }
0xb0: {  	[dreg:$0x4] =	wrdreg $0xBB800  }
0xb1: {  	[dreg:$0x5] =	wrdreg $0x9  }
0xb2: {  	_ =	task.clear_ibuf [dreg:s7], $0x6FFFF;
	_ =	strace $0x90000046  }
0xb3: {  	s29 =	simm.s32 $0x9;
	_ =	strace $0x80000048  }
0xb4: {  	_ =	swait.ge [sflag:s29], $0x1  }
0xb5: {  	[sflag:s29] =	ssyncadd.s32 $0xFFFFFFFF  }
0xb6: {  	_ =	strace $0x90000048  }
0xb7: {  	_ =	sfence  }
0xb8: {  	s30 =	sld [smem:$0x0];
	_ =	sdelay $0x2  }
0xb9: {  	s31 =	sshll.u32 s1, $0xD;
	s1 =	sshrl.u32 s1, $0x2  }
0xba: {  	s3 =	sand.u32 $0x4000, s31;
	s1 =	sadd.s32 s1, s30  }
0xbb: {  	s0 =	sor.u32 s3, s0;
	s1 =	sshll.u32 s1, $0x11  }
0xbc: {  	s0 =	sor.u32 s1, s0  }
0xbd: {  	s0 =	sadd.s32 $0x8F2B, s0  }
0xbe: {  	[sflag:s0] =	ssyncadd.remote.s32 $0x1  }
0xbf: {  	_ =	sfence.sel $0xFFFF  }
0xc0: {  	[dreg:$0x0] =	wrdreg $0xFFFFFFFF;
	(pc) =	sbr.abs _section_cstart, $3  }
0xc1: {  	[dreg:$0x1] =	wrdreg $0xFFFFFFFF  }
0xc2: {  	_ =	task.clear_ibuf [dreg:s7], $0x2FFFF;
	_ =	strace $0x9FFFFFFF  }
0xc3: {  	(tm) =	ssettm $0x7FFFFFFF  }
tec
execute0_lowered:
.L_overlay_start_1:
0x0: {  	(tag) =	ssettag $0x1  }
0x1: {  	s0 =	srdreg.scid  }
0x2: {  	s1 =	rddreg [dreg:$0x0];
	s12 =	stileid.u32  }
0x3: {  	s7 =	rddreg [dreg:$0x1];
	s14 =	simm.s32 $0x32;
	s15 =	simm.s32 $0x5780  }
0x4: {  	s16 =	simm.s32 $0x38;
	s17 =	simm.s32 $0x7080;
	s18 =	simm.s32 $0x70  }
0x5: {  	s19 =	simm.s32 $0x8980;
	s20 =	simm.s32 $0xA8;
	s21 =	simm.s32 $0xA280  }
0x6: {  	s22 =	simm.s32 $0x1;
	s23 =	simm.s32 $0x2;
	s24 =	simm.s32 $0x3  }
0x7: {  	s28 =	simm.s32 $0x56D8;
	s29 =	simm.s32 $0x5710;
	s30 =	simm.s32 $0x5748  }
0x8: {  	s31 =	simm.s32 $0x0;
	s0 =	sand.u32 $0x1, s0;
	s5 =	smul.u32 $0x14000, s12  }
0x9: {  	s4 =	sadd.s32 $0xDC00, s1;
	s25 =	sshll.u32 s12, $0x6;
	s2 =	sshll.u32 s0, $0x4  }
0xa: {  	s6 =	smul.u32 $0x140000, s0;
	s0 =	ssub.s32 $0x2, s0;
	s3 =	sor.u32 s12, s2  }
0xb: {  	s2 =	rddreg [dreg:$0x2];
	s10 =	sshrl.u32 s5, $0x3;
	s11 =	sshrl.u32 s0, $0x1  }
0xc: {  	s12 =	simm.s32 $0x5;
	s8 =	smul.u32 $0x578, s3;
	s3 =	simm.s32 $0x0  }
0xd: {  	s6 =	sadd.s32 s5, s6;
	s10 =	sadd.s32 s10, s1;
	s0 =	ssub.s32 s0, s11  }
0xe: {  	s26 =	sadd.s32 s5, s2;
	[smem:$0x7FF] =	sst s3;
	s6 =	sshrl.u32 s6, $0x3  }
0xf: {  	s5 =	sadd.s32 $0x34E00, s10;
	s10 =	smax.u32 s0, $0x1;
	s11 =	sshrl.u32 s26, $0x3  }
0x10: {  	s26 =	simm.s32 $0x56A0;
	_ =	strace $0x80000047;
	s9 =	sadd.s32 s8, s1  }
0x11: {  	s1 =	sadd.s32 s6, s1;
	s6 =	sor.u32 $0x1C05, s25;
	s7 =	sadd.s32 s7, s8  }
0x12: {  	s25 =	simm.s32 $0x4;
	s8 =	sadd.s32 $0x2C00, s9;
	s9 =	sadd.s32 $0x5CE00, s1  }
.LBB2_1:
0x13: {  	[spmem:s11], [sflag:s6] =	dma.local [hbm:s5], $0x2800  }
0x14: {  	_ =	swait.ge [sflag:s12], $0x2800  }
0x15: {  	[sflag:s12] =	ssyncset.done $0x0  }
0x16: {  	[sflag:s12] =	ssyncadd.s32 $0xFFFFD800  }
0x17: {  	[tilespmem:s3], [sflag:$0x5] =	stream.linear.gather [hbm4b:s7+s3], $0x2BC0, $0x38;
	[tilespmem:$0x1FB80] =	vst v63  }
0x18: {  	_ =	swait.ge [sflag:s12], $0x2BC0  }
0x19: {  	[sflag:s12] =	ssyncset.done $0x0  }
0x1a: {  	s0 =	simm.s32 $0x2BC0;
	[sflag:s12] =	ssyncadd.s32 $0xFFFFD440  }
0x1b: {  	[tilespmem:s0], [sflag:$0x5] =	stream.linear.gather [hbm4b:s8+s3], $0x2BC0, $0x38;
	[tilespmem:$0x1FB80] =	vst v63  }
0x1c: {  	_ =	swait.ge [sflag:s12], $0x2BC0  }
0x1d: {  	[sflag:s12] =	ssyncset.done $0x0  }
0x1e: {  	[sflag:s12] =	ssyncadd.s32 $0xFFFFD440  }
0x1f: {  	[bflag:$0x0] =	sbarrier.arrive $0xFFFF  }
0x20: {  	[tilespmem:s15], [sflag:$0x1] =	stream.indirect.gather [hbm4b:s4+s14], $0x80, s3, s14, $0xb8;
	[tilespmem:$0x1FB80] =	vst v63  }
0x21: {  	_ = 	snop  }
0x22: {  	[tilespmem:s17], [sflag:$0x2] =	stream.indirect.gather [hbm4b:s4+s14], $0x80, s16, s14, $0xb8;
	[tilespmem:$0x1FB80] =	vst v63  }
0x23: {  	_ = 	snop  }
0x24: {  	[tilespmem:s19], [sflag:$0x3] =	stream.indirect.gather [hbm4b:s4+s14], $0x80, s18, s14, $0xb8;
	[tilespmem:$0x1FB80] =	vst v63  }
0x25: {  	_ = 	snop  }
0x26: {  	[tilespmem:s21], [sflag:$0x4] =	stream.indirect.gather [hbm4b:s4+s14], $0x80, s20, s14, $0xb8;
	[tilespmem:$0x1FB80] =	vst v63  }
0x27: {  	_ =	swait.ge [sflag:s22], $0x1900  }
0x28: {  	[sflag:s22] =	ssyncset.done $0x0  }
0x29: {  	s13 =	simm.s32 $0x2BC0;
	[sflag:s22] =	ssyncadd.s32 $0xFFFFE700  }
0x2a: {  	[spmem:s2] =	stream.indirect.scatter.add.f32 [tilespmem:s15], [sflag:$0x5], $0x80, s13, s14, $0xb8;
	[tilespmem:$0x1FB80] =	vst v63  }
0x2b: {  	_ =	swait.ge [sflag:s12], $0x1900  }
0x2c: {  	[sflag:s12] =	ssyncset.done $0x0  }
0x2d: {  	s1 =	simm.s32 $0xE0;
	[sflag:s12] =	ssyncadd.s32 $0xFFFFE700  }
0x2e: {  	[tilespmem:s15], [sflag:$0x1] =	stream.indirect.gather [hbm4b:s4+s14], $0x80, s1, s14, $0xb8;
	[tilespmem:$0x1FB80] =	vst v63  }
0x2f: {  	_ =	swait.ge [sflag:s23], $0x1900  }
0x30: {  	[sflag:s23] =	ssyncset.done $0x0  }
0x31: {  	s13 =	simm.s32 $0x2BF8;
	[sflag:s23] =	ssyncadd.s32 $0xFFFFE700  }
0x32: {  	[spmem:s2] =	stream.indirect.scatter.add.f32 [tilespmem:s17], [sflag:$0x5], $0x80, s13, s14, $0xb8;
	[tilespmem:$0x1FB80] =	vst v63  }
0x33: {  	_ =	swait.ge [sflag:s12], $0x1900  }
0x34: {  	[sflag:s12] =	ssyncset.done $0x0  }
0x35: {  	s1 =	simm.s32 $0x118;
	[sflag:s12] =	ssyncadd.s32 $0xFFFFE700  }
0x36: {  	[tilespmem:s17], [sflag:$0x2] =	stream.indirect.gather [hbm4b:s4+s14], $0x80, s1, s14, $0xb8;
	[tilespmem:$0x1FB80] =	vst v63  }
0x37: {  	_ =	swait.ge [sflag:s24], $0x1900  }
0x38: {  	[sflag:s24] =	ssyncset.done $0x0  }
0x39: {  	s13 =	simm.s32 $0x2C30;
	[sflag:s24] =	ssyncadd.s32 $0xFFFFE700  }
0x3a: {  	[spmem:s2] =	stream.indirect.scatter.add.f32 [tilespmem:s19], [sflag:$0x5], $0x80, s13, s14, $0xb8;
	[tilespmem:$0x1FB80] =	vst v63  }
0x3b: {  	_ =	swait.ge [sflag:s12], $0x1900  }
0x3c: {  	[sflag:s12] =	ssyncset.done $0x0  }
0x3d: {  	s1 =	simm.s32 $0x150;
	[sflag:s12] =	ssyncadd.s32 $0xFFFFE700  }
0x3e: {  	[tilespmem:s19], [sflag:$0x3] =	stream.indirect.gather [hbm4b:s4+s14], $0x80, s1, s14, $0xb8;
	[tilespmem:$0x1FB80] =	vst v63  }
0x3f: {  	_ =	swait.ge [sflag:s25], $0x1900  }
0x40: {  	[sflag:s25] =	ssyncset.done $0x0  }
0x41: {  	s13 =	simm.s32 $0x2C68;
	[sflag:s25] =	ssyncadd.s32 $0xFFFFE700  }
0x42: {  	[spmem:s2] =	stream.indirect.scatter.add.f32 [tilespmem:s21], [sflag:$0x5], $0x80, s13, s14, $0xb8;
	[tilespmem:$0x1FB80] =	vst v63  }
0x43: {  	_ =	swait.ge [sflag:s12], $0x1900  }
0x44: {  	[sflag:s12] =	ssyncset.done $0x0  }
0x45: {  	s0 =	simm.s32 $0x188;
	s1 =	simm.s32 $0x380;
	[sflag:s12] =	ssyncadd.s32 $0xFFFFE700  }
.LBB2_2:
0x46: {  	[tilespmem:s21], [sflag:$0x4] =	stream.indirect.gather [hbm4b:s4+s14], $0x80, s0, s14, $0xb8;
	[tilespmem:$0x1FB80] =	vst v63  }
0x47: {  	s0 =	smov.u32 s1  }
0x48: {  	p0 =	sne.s32 s1, $0xA800;
	s1 =	sadd.s32 $0x380, s1;
	_ =	swait.ge [sflag:s22], $0x1900  }
0x49: {  	s0 =	sshra.s32 s0, $0x2;
	[sflag:s22] =	ssyncset.done $0x0  }
0x4a: {  	s13 =	sadd.s32 $0x2BC0, s0;
	[sflag:s22] =	ssyncadd.s32 $0xFFFFE700  }
0x4b: {  	[spmem:s2] =	stream.indirect.scatter.add.f32 [tilespmem:s15], [sflag:$0x5], $0x80, s13, s14, $0xb8;
	[tilespmem:$0x1FB80] =	vst v63  }
0x4c: {  	_ =	swait.ge [sflag:s12], $0x1900  }
0x4d: {  	[sflag:s12] =	ssyncset.done $0x0  }
0x4e: {  	s13 =	sadd.s32 $0xE0, s0;
	[sflag:s12] =	ssyncadd.s32 $0xFFFFE700  }
0x4f: {  	[tilespmem:s15], [sflag:$0x1] =	stream.indirect.gather [hbm4b:s4+s14], $0x80, s13, s14, $0xb8;
	[tilespmem:$0x1FB80] =	vst v63  }
0x50: {  	_ =	swait.ge [sflag:s23], $0x1900  }
0x51: {  	[sflag:s23] =	ssyncset.done $0x0  }
0x52: {  	s13 =	sadd.s32 $0x2BF8, s0;
	[sflag:s23] =	ssyncadd.s32 $0xFFFFE700  }
0x53: {  	[spmem:s2] =	stream.indirect.scatter.add.f32 [tilespmem:s17], [sflag:$0x5], $0x80, s13, s14, $0xb8;
	[tilespmem:$0x1FB80] =	vst v63  }
0x54: {  	_ =	swait.ge [sflag:s12], $0x1900  }
0x55: {  	[sflag:s12] =	ssyncset.done $0x0  }
0x56: {  	s13 =	sadd.s32 $0x118, s0;
	[sflag:s12] =	ssyncadd.s32 $0xFFFFE700  }
0x57: {  	[tilespmem:s17], [sflag:$0x2] =	stream.indirect.gather [hbm4b:s4+s14], $0x80, s13, s14, $0xb8;
	[tilespmem:$0x1FB80] =	vst v63  }
0x58: {  	_ =	swait.ge [sflag:s24], $0x1900  }
0x59: {  	[sflag:s24] =	ssyncset.done $0x0  }
0x5a: {  	s13 =	sadd.s32 $0x2C30, s0;
	[sflag:s24] =	ssyncadd.s32 $0xFFFFE700  }
0x5b: {  	[spmem:s2] =	stream.indirect.scatter.add.f32 [tilespmem:s19], [sflag:$0x5], $0x80, s13, s14, $0xb8;
	[tilespmem:$0x1FB80] =	vst v63  }
0x5c: {  	_ =	swait.ge [sflag:s12], $0x1900  }
0x5d: {  	[sflag:s12] =	ssyncset.done $0x0  }
0x5e: {  	s13 =	sadd.s32 $0x150, s0;
	[sflag:s12] =	ssyncadd.s32 $0xFFFFE700  }
0x5f: {  	[tilespmem:s19], [sflag:$0x3] =	stream.indirect.gather [hbm4b:s4+s14], $0x80, s13, s14, $0xb8;
	[tilespmem:$0x1FB80] =	vst v63  }
0x60: {  	_ =	swait.ge [sflag:s25], $0x1900  }
0x61: {  	[sflag:s25] =	ssyncset.done $0x0  }
.Ltmp0:
0x62: {  	s13 =	sadd.s32 $0x2C68, s0;
	[sflag:s25] =	ssyncadd.s32 $0xFFFFE700;
	(pc) =	sbr.rel @p0 .LBB2_2-.Ltmp0, $4  }
0x63: {  	[spmem:s2] =	stream.indirect.scatter.add.f32 [tilespmem:s21], [sflag:$0x5], $0x80, s13, s14, $0xb8;
	[tilespmem:$0x1FB80] =	vst v63  }
0x64: {  	_ =	swait.ge [sflag:s12], $0x1900  }
0x65: {  	[sflag:s12] =	ssyncset.done $0x0  }
0x66: {  	s0 =	sadd.s32 $0x188, s0;
	[sflag:s12] =	ssyncadd.s32 $0xFFFFE700  }
0x67: {  	[tilespmem:s21], [sflag:$0x4] =	stream.indirect.gather [hbm4b:s4+s14], $0x80, s0, s14, $0xb8;
	[tilespmem:$0x1FB80] =	vst v63  }
0x68: {  	_ =	swait.ge [sflag:s22], $0x1900  }
0x69: {  	[sflag:s22] =	ssyncset.done $0x0  }
0x6a: {  	[sflag:s22] =	ssyncadd.s32 $0xFFFFE700  }
0x6b: {  	[spmem:s2] =	stream.indirect.scatter.add.f32 [tilespmem:s15], [sflag:$0x5], $0x80, s26, s14, $0xb8;
	[tilespmem:$0x1FB80] =	vst v63  }
0x6c: {  	_ =	swait.ge [sflag:s12], $0x1900  }
0x6d: {  	[sflag:s12] =	ssyncset.done $0x0  }
0x6e: {  	[sflag:s12] =	ssyncadd.s32 $0xFFFFE700  }
0x6f: {  	_ =	swait.ge [sflag:s23], $0x1900  }
0x70: {  	[sflag:s23] =	ssyncset.done $0x0  }
0x71: {  	[sflag:s23] =	ssyncadd.s32 $0xFFFFE700  }
0x72: {  	[spmem:s2] =	stream.indirect.scatter.add.f32 [tilespmem:s17], [sflag:$0x5], $0x80, s28, s14, $0xb8;
	[tilespmem:$0x1FB80] =	vst v63  }
0x73: {  	_ =	swait.ge [sflag:s12], $0x1900  }
0x74: {  	[sflag:s12] =	ssyncset.done $0x0  }
0x75: {  	[sflag:s12] =	ssyncadd.s32 $0xFFFFE700  }
0x76: {  	_ =	swait.ge [sflag:s24], $0x1900  }
0x77: {  	[sflag:s24] =	ssyncset.done $0x0  }
0x78: {  	[sflag:s24] =	ssyncadd.s32 $0xFFFFE700  }
0x79: {  	[spmem:s2] =	stream.indirect.scatter.add.f32 [tilespmem:s19], [sflag:$0x5], $0x80, s29, s14, $0xb8;
	[tilespmem:$0x1FB80] =	vst v63  }
0x7a: {  	_ =	swait.ge [sflag:s12], $0x1900  }
0x7b: {  	[sflag:s12] =	ssyncset.done $0x0  }
0x7c: {  	[sflag:s12] =	ssyncadd.s32 $0xFFFFE700  }
0x7d: {  	_ =	swait.ge [sflag:s25], $0x1900  }
0x7e: {  	[sflag:s25] =	ssyncset.done $0x0  }
0x7f: {  	[sflag:s25] =	ssyncadd.s32 $0xFFFFE700  }
0x80: {  	[spmem:s2] =	stream.indirect.scatter.add.f32 [tilespmem:s21], [sflag:$0x5], $0x80, s30, s14, $0xb8;
	[tilespmem:$0x1FB80] =	vst v63  }
0x81: {  	_ =	swait.ge [sflag:s12], $0x1900  }
0x82: {  	s31 =	sadd.s32 $0x1, s31;
	[sflag:s12] =	ssyncset.done $0x0  }
0x83: {  	p0 =	sne.s32 s31, s10;
	[sflag:s12] =	ssyncadd.s32 $0xFFFFE700  }
.Ltmp1:
0x84: {  	[bflag:$0x0] =	sbarrier.arrive $0xFFFF;
	(pc) =	sbr.rel @p0 .LBB2_1-.Ltmp1, $4  }
0x85: {  	[hbm:s9], [sflag:s6] =	dma.local [spmem:s11], $0x2800  }
0x86: {  	_ =	swait.ge [sflag:s12], $0x2800  }
0x87: {  	[sflag:s12] =	ssyncset.done $0x0  }
0x88: {  	[sflag:s12] =	ssyncadd.s32 $0xFFFFD800  }
0x89: {  	_ =	sfence.sel $0x180000  }
0x8a: {  	[bflag:$0x0] =	sbarrier.arrive $0xFFFF  }
0x8b: {  	_ =	strace $0x90000047  }
0x8c: {  	s0 =	stileid.u32;
	[bflag:$0x2] =	sbarrier.arrive $0xFFFF  }
0x8d: {  	p0 =	sne.s32 s0, $0x0;
	s0 =	rddreg [dreg:$0x3]  }
0x8e: {  	s0 =	sadd.s32 @!p0 $0x100000, s0  }
0x8f: {  	[sflag:s0] =	ssyncadd.tile.s32 @!p0 $0x1;
	_ =	shalt  }
.Lfunc_end2:
_tile_overlayer_lowered:
.L_overlay_start_2:
0x90: {  	(tag) =	ssettag $0x2  }
0x91: {  	s0 =	rddreg [dreg:$0x0];
	s2 =	stileid.u32  }
0x92: {  	s1 =	rddreg [dreg:$0x1];
	p0 =	sne.s32 s2, $0x0  }
0x93: {  	s3 =	rddreg [dreg:$0x2];
	[bflag:$0x3] =	sbarrier.arrive $0xFFFF;
	s2 =	simm.s32 @!p0 $0x1C05  }
0x94: {  	[timem:s3], [sflag:s2] =	dma.local @!p0 [hbm:s0], s1  }
0x95: {  	s0 =	simm.s32 @!p0 $0x5  }
0x96: {  	_ =	swait.ge @!p0 [sflag:s0], s1  }
0x97: {  	s1 =	ssub.s32 @!p0 $0x0, s1;
	[sflag:s0] =	ssyncset.done @!p0 $0x0  }
0x98: {  	[sflag:s0] =	ssyncadd.s32 @!p0 s1  }
0x99: {  	[bflag:$0x3] =	sbarrier.arrive $0xFFFF  }
0x9a: {  	_ =	shalt  }

</sc_bundles>
